<compile_context>
chip_gen: v7x
topology: tpu7x:2x2x1
jax: 0.10.2.dev20260603
libtpu: 0.0.44.dev20260713+nightly
codegen_flags: <defaults>
</compile_context>

<pallas_src>
import functools

import numpy as np
import jax
import jax.numpy as jnp
from jax.experimental import pallas as pl
from jax.experimental.pallas import tpu as pltpu
from jax.experimental.pallas import tpu_sc as plsc

F32 = jnp.float32
BF16 = jnp.bfloat16

_B = 32
_T = 64
_TQ = 16
_NB = 512
_CD = 256


def _sep_perms():
    pos0, rot0, vel0, foot0, nch = 4, 67, 193, 259, 263
    lower = np.array([0, 1, 2, 4, 5, 7, 8, 10, 11])
    lower_ex = lower[1:] - 1
    upper = np.array([3, 6, 9, 12, 13, 14, 15, 16, 17, 18, 19, 20, 21])
    upper_ex = upper - 1
    up = np.concatenate([
        (pos0 + upper_ex[:, None] * 3 + np.arange(3)).ravel(),
        (rot0 + upper_ex[:, None] * 6 + np.arange(6)).ravel(),
        (vel0 + upper[:, None] * 3 + np.arange(3)).ravel(),
    ])
    low = np.concatenate([
        np.arange(4),
        (pos0 + lower_ex[:, None] * 3 + np.arange(3)).ravel(),
        (rot0 + lower_ex[:, None] * 6 + np.arange(6)).ravel(),
        (vel0 + lower[:, None] * 3 + np.arange(3)).ravel(),
        np.arange(foot0, nch),
    ])
    return up, low


_PERM_UP, _PERM_LOW = _sep_perms()


def _taps(w):
    o, i, k = w.shape
    return jnp.transpose(w, (2, 1, 0)).reshape(k * i, o).astype(BF16)


def _bias(b):
    return b.reshape(1, -1)


def _dotb(x, w):
    return jax.lax.dot(x, w, preferred_element_type=F32)



def _conv(x, wt, b, dil, padn):
    tq, bq, c = x.shape
    k = wt.shape[0] // c
    co = wt.shape[1]
    xb = x.astype(BF16)
    xp = jnp.pad(xb, ((padn, padn), (0, 0), (0, 0))) if padn else xb
    parts = [
        jax.lax.slice(xp, (i * dil, 0, 0),
                      (i * dil + tq, bq, c)).reshape(tq * bq, c)
        for i in range(k)
    ]
    op = parts[0] if k == 1 else jnp.concatenate(parts, axis=1)
    y = _dotb(op, wt)
    return (y + b).reshape(tq, bq, co)


def _down(x, wt, b):
    tq, bq, c = x.shape
    to = tq // 2
    xb = jnp.pad(x.astype(BF16), ((1, 1), (0, 0), (0, 0)))
    r = xb.reshape(to + 1, 2, bq, c)
    parts = [p.reshape(to * bq, c)
             for p in (r[0:to, 0], r[0:to, 1], r[1:, 0], r[1:, 1])]
    y = _dotb(jnp.concatenate(parts, axis=1), wt)
    return (y + b).reshape(to, bq, wt.shape[1])


def _enc_fwd(x, ws):
    it = iter(ws)
    h = _conv(x, next(it), next(it), 1, 1)
    h = jnp.maximum(h, 0.0)
    for _ in range(2):
        h = _down(h, next(it), next(it))
        for j in range(3):
            w1, b1, w2, b2 = next(it), next(it), next(it), next(it)
            g = jnp.maximum(h, 0.0)
            g = _conv(g, w1, b1, 3 ** j, 3 ** j)
            g = jnp.maximum(g, 0.0)
            g = _conv(g, w2, b2, 1, 0)
            h = h + g
    h = _conv(h, next(it), next(it), 1, 1)
    return h


def _argmin_codes(xf, cb, cbt):
    r, n = xf.shape[0], cb.shape[0]
    x2 = jnp.sum(xf * xf, axis=1, keepdims=True)
    c2 = jnp.sum(cb * cb, axis=1)
    xy = _dotb(xf.astype(BF16), cbt)
    dist = (x2 - 2.0 * xy) + c2[None, :]
    m = jnp.min(dist, axis=1, keepdims=True)
    iota = jax.lax.broadcasted_iota(jnp.int32, (r, n), 1)
    idx = jnp.min(jnp.where(dist == m, iota, n), axis=1)
    return idx


def _enc_body(nw, *refs):
    x = refs[0][...]
    ws = [rr[...] for rr in refs[1:1 + nw]]
    cb = refs[1 + nw][...]
    cbt = refs[2 + nw][...]
    xf_ref, idx_ref = refs[3 + nw:5 + nw]
    h = _enc_fwd(x, ws)
    xf = h.reshape(_TQ * _B, _CD)
    xf_ref[...] = xf
    idx_ref[...] = _argmin_codes(xf, cb, cbt)


def _sc_gather_call(cb_up, cb_low, idx_up, idx_low):
    info = plsc.get_sparse_core_info()
    nw = info.num_cores * info.num_subcores
    r = _TQ * _B
    bpw = r // nw
    mesh = plsc.VectorSubcoreMesh(core_axis_name="c", subcore_axis_name="s")

    @functools.partial(
        pl.kernel, mesh=mesh,
        out_type=(jax.ShapeDtypeStruct((r, _CD), F32),
                  jax.ShapeDtypeStruct((r, _CD), F32)),
        scratch_types=[pltpu.VMEM((bpw,), jnp.int32),
                       pltpu.VMEM((bpw, _CD), F32),
                       pltpu.SemaphoreType.DMA],
    )
    def k(cbu, cbl, iu, il, ou, ol, idx_v, rows_v, sem):
        wid = jax.lax.axis_index("s") * info.num_cores + jax.lax.axis_index("c")
        base = wid * bpw
        pltpu.sync_copy(iu.at[pl.ds(base, bpw)], idx_v)
        pltpu.async_copy(cbu.at[idx_v], rows_v, sem).wait()
        pltpu.sync_copy(rows_v, ou.at[pl.ds(base, bpw)])
        pltpu.sync_copy(il.at[pl.ds(base, bpw)], idx_v)
        pltpu.async_copy(cbl.at[idx_v], rows_v, sem).wait()
        pltpu.sync_copy(rows_v, ol.at[pl.ds(base, bpw)])

    return k(cb_up, cb_low, idx_up, idx_low)


def _dec_fwd(x, ws):
    it = iter(ws)
    h = _conv(x, next(it), next(it), 1, 1)
    h = jnp.maximum(h, 0.0)
    for _ in range(2):
        for j in range(3):
            w1, b1, w2, b2 = next(it), next(it), next(it), next(it)
            d = 3 ** (2 - j)
            g = jnp.maximum(h, 0.0)
            g = _conv(g, w1, b1, d, d)
            g = jnp.maximum(g, 0.0)
            g = _conv(g, w2, b2, 1, 0)
            h = h + g
        wu, bu = next(it), next(it)
        tq, bq, c = h.shape
        hr = jnp.stack([h, h], axis=1).reshape(2 * tq, bq, c)
        h = _conv(hr, wu, bu, 1, 1)
    h = _conv(h, next(it), next(it), 1, 1)
    h = jnp.maximum(h, 0.0)
    h = _conv(h, next(it), next(it), 1, 1)
    return h


def _dec_body(nw, *refs):
    x = refs[0][...]
    xfu = refs[1][...]
    xfl = refs[2][...]
    idxl = refs[3][...]
    ws = [rr[...] for rr in refs[4:4 + nw]]
    out_ref, loss_ref, ppl_ref = refs[4 + nw:7 + nw]
    out_ref[...] = _dec_fwd(x, ws)
    r = _TQ * _B
    xq = x.reshape(r, 2 * _CD)
    cu = jnp.mean((xfu - xq[:, :_CD]) ** 2)
    cl = jnp.mean((xfl - xq[:, _CD:]) ** 2)
    loss_ref[...] = (cu + cl).reshape(1, 1)
    iota = jax.lax.broadcasted_iota(jnp.int32, (r, _NB), 1)
    counts = jnp.sum((iota == idxl[:, None]).astype(F32), axis=0)
    prob = counts / r
    ppl = jnp.exp(-jnp.sum(prob * jnp.log(prob + 1e-7)))
    ppl_ref[...] = ppl.reshape(1, 1)


def _enc_wlist(p, cpad):
    w_in = p['conv_in']['w']
    w_in = jnp.pad(w_in, ((0, 0), (0, cpad - w_in.shape[1]), (0, 0)))
    out = [_taps(w_in), _bias(p['conv_in']['b'])]
    for blk in p['downs']:
        out += [_taps(blk['down']['w']), _bias(blk['down']['b'])]
        for rb in blk['res']:
            out += [_taps(rb['c1']['w']), _bias(rb['c1']['b']),
                    _taps(rb['c2']['w']), _bias(rb['c2']['b'])]
    out += [_taps(p['conv_out']['w']), _bias(p['conv_out']['b'])]
    return out


def _dec_wlist(p):
    out = [_taps(p['conv_in']['w']), _bias(p['conv_in']['b'])]
    for blk in p['ups']:
        for rb in blk['res']:
            out += [_taps(rb['c1']['w']), _bias(rb['c1']['b']),
                    _taps(rb['c2']['w']), _bias(rb['c2']['b'])]
        out += [_taps(blk['up']['w']), _bias(blk['up']['b'])]
    out += [_taps(p['conv_mid']['w']), _bias(p['conv_mid']['b']),
            _taps(p['conv_out']['w']), _bias(p['conv_out']['b'])]
    return out


def _enc_call(x, wlist, cb):
    cbt = jnp.transpose(cb).astype(BF16)
    nw = len(wlist)
    out_shape = (jax.ShapeDtypeStruct((_TQ * _B, _CD), F32),
                 jax.ShapeDtypeStruct((_TQ * _B,), jnp.int32))
    return pl.pallas_call(
        functools.partial(_enc_body, nw), out_shape=out_shape,
    )(x, *wlist, cb, cbt)


def _dec_call(xq, xfu, xfl, idxl, wlist):
    nw = len(wlist)
    out_shape = (jax.ShapeDtypeStruct((_T, _B, 263), F32),
                 jax.ShapeDtypeStruct((1, 1), F32),
                 jax.ShapeDtypeStruct((1, 1), F32))
    return pl.pallas_call(
        functools.partial(_dec_body, nw), out_shape=out_shape,
    )(xq, xfu, xfl, idxl, *wlist)


def kernel(x, params):
    xt = jnp.transpose(x, (1, 0, 2))
    xtu = jnp.take(xt, _PERM_UP, axis=2)
    xtl = jnp.take(xt, _PERM_LOW, axis=2)
    xtu = jnp.pad(xtu, ((0, 0), (0, 0), (0, -xtu.shape[2] % 8)))
    xtl = jnp.pad(xtl, ((0, 0), (0, 0), (0, -xtl.shape[2] % 8)))
    wu = _enc_wlist(params['enc_up'], xtu.shape[2])
    wl = _enc_wlist(params['enc_low'], xtl.shape[2])
    xfu, idxu = _enc_call(xtu, wu, params['cb_up'])
    xfl, idxl = _enc_call(xtl, wl, params['cb_low'])
    xdu, xdl = _sc_gather_call(params['cb_up'], params['cb_low'], idxu, idxl)
    xq = jnp.concatenate([xdu, xdl], axis=-1).reshape(_TQ, _B, 2 * _CD)
    xout, loss, ppl = _dec_call(xq, xfu, xfl, idxl, _dec_wlist(params['dec']))
    return jnp.transpose(xout, (1, 0, 2)), loss[0, 0], ppl[0, 0]

# --- scband reference (transcript-rebuilt; emitter-appended) ---
"""Pipeline reference for scband-vqvae-sep-23450521436293 (READ-ONLY COPY).

The authoritative reference and input builder live on the scoring server;
editing this copy changes nothing except your own understanding.
"""

import jax, jax.numpy as jnp
import numpy as np

WIDTH = 512
DOWN_T = 2
DEPTH = 3
GROWTH = 3
STRIDE = 2
NB_CODE = 512
CODE_DIM = 512
HALF = CODE_DIM // 2
OUT_DIM = 263
UPPER_DIM = 156
LOWER_DIM = 107
BATCH = 32
T = 64


def conv1d(x, w, b, stride=1, padding=0, dilation=1):
    out = jax.lax.conv_general_dilated(
        x, w, window_strides=(stride,), padding=[(padding, padding)],
        rhs_dilation=(dilation,), dimension_numbers=('NCH', 'OIH', 'NCH'))
    return out + b[None, :, None]


def _conv_p(key, out_c, in_c, k):
    w = jax.random.normal(key, (out_c, in_c, k), dtype=jnp.float32) * 0.02
    b = jnp.zeros((out_c,), dtype=jnp.float32)
    return {'w': w, 'b': b}


def _make_encoder(key, in_dim, out_dim):
    keys = jax.random.split(key, 2 + DOWN_T * (1 + 2 * DEPTH))
    it = iter(keys)
    p = {'conv_in': _conv_p(next(it), WIDTH, in_dim, 3), 'downs': []}
    for i in range(DOWN_T):
        blk = {'down': _conv_p(next(it), WIDTH, WIDTH, STRIDE * 2), 'res': []}
        for j in range(DEPTH):
            blk['res'].append({'c1': _conv_p(next(it), WIDTH, WIDTH, 3),
                               'c2': _conv_p(next(it), WIDTH, WIDTH, 1)})
        p['downs'].append(blk)
    p['conv_out'] = _conv_p(next(it), out_dim, WIDTH, 3)
    return p


def _make_decoder(key, in_dim, out_dim):
    keys = jax.random.split(key, 3 + DOWN_T * (1 + 2 * DEPTH))
    it = iter(keys)
    p = {'conv_in': _conv_p(next(it), WIDTH, in_dim, 3), 'ups': []}
    for i in range(DOWN_T):
        blk = {'res': [], 'up': _conv_p(next(it), WIDTH, WIDTH, 3)}
        for j in range(DEPTH):
            blk['res'].append({'c1': _conv_p(next(it), WIDTH, WIDTH, 3),
                               'c2': _conv_p(next(it), WIDTH, WIDTH, 1)})
        p['ups'].append(blk)
    p['conv_mid'] = _conv_p(next(it), WIDTH, WIDTH, 3)
    p['conv_out'] = _conv_p(next(it), out_dim, WIDTH, 3)
    return p


def _res_block(rb, x, dilation):
    h = jax.nn.relu(x)
    h = conv1d(h, rb['c1']['w'], rb['c1']['b'], 1, dilation, dilation)
    h = jax.nn.relu(h)
    h = conv1d(h, rb['c2']['w'], rb['c2']['b'], 1, 0, 1)
    return x + h


def encoder_fwd(p, x):
    x = conv1d(x, p['conv_in']['w'], p['conv_in']['b'], 1, 1, 1)
    x = jax.nn.relu(x)
    for blk in p['downs']:
        x = conv1d(x, blk['down']['w'], blk['down']['b'], STRIDE, STRIDE // 2, 1)
        for j, rb in enumerate(blk['res']):
            x = _res_block(rb, x, GROWTH ** j)
    x = conv1d(x, p['conv_out']['w'], p['conv_out']['b'], 1, 1, 1)
    return x


def decoder_fwd(p, x):
    x = conv1d(x, p['conv_in']['w'], p['conv_in']['b'], 1, 1, 1)
    x = jax.nn.relu(x)
    for blk in p['ups']:
        for j, rb in enumerate(blk['res']):
            x = _res_block(rb, x, GROWTH ** (DEPTH - 1 - j))
        x = jnp.repeat(x, 2, axis=-1)
        x = conv1d(x, blk['up']['w'], blk['up']['b'], 1, 1, 1)
    x = conv1d(x, p['conv_mid']['w'], p['conv_mid']['b'], 1, 1, 1)
    x = jax.nn.relu(x)
    x = conv1d(x, p['conv_out']['w'], p['conv_out']['b'], 1, 1, 1)
    return x


def upper_lower_sep(motion):
    joints_num = 22
    root = motion[..., :4]
    s = 4
    e = s + (joints_num - 1) * 3
    positions = motion[..., s:e].reshape(*motion.shape[:2], joints_num - 1, 3)
    s = e
    e = s + (joints_num - 1) * 6
    rot6d = motion[..., s:e].reshape(*motion.shape[:2], joints_num - 1, 6)
    s = e
    e = s + joints_num * 3
    velo = motion[..., s:e].reshape(*motion.shape[:2], joints_num, 3)
    foot = motion[..., e:]
    lower = np.array([0, 1, 2, 4, 5, 7, 8, 10, 11])
    lower_ex = lower[1:] - 1
    LOW_pos = positions[:, :, lower_ex].reshape(*motion.shape[:2], -1)
    LOW_rot = rot6d[:, :, lower_ex].reshape(*motion.shape[:2], -1)
    LOW_velo = velo[:, :, lower].reshape(*motion.shape[:2], -1)
    lower_emb = jnp.concatenate([root, LOW_pos, LOW_rot, LOW_velo, foot], axis=-1)
    upper = np.array([3, 6, 9, 12, 13, 14, 15, 16, 17, 18, 19, 20, 21])
    upper_ex = upper - 1
    UP_pos = positions[:, :, upper_ex].reshape(*motion.shape[:2], -1)
    UP_rot = rot6d[:, :, upper_ex].reshape(*motion.shape[:2], -1)
    UP_velo = velo[:, :, upper].reshape(*motion.shape[:2], -1)
    upper_emb = jnp.concatenate([UP_pos, UP_rot, UP_velo], axis=-1)
    return upper_emb, lower_emb


def quantize_ema(codebook, x):
    N, C, Tt = x.shape
    xf = jnp.transpose(x, (0, 2, 1)).reshape(-1, C)
    dist = (jnp.sum(xf ** 2, axis=-1, keepdims=True)
            - 2.0 * (xf @ codebook.T)
            + jnp.sum(codebook ** 2, axis=-1)[None, :])
    idx = jnp.argmin(dist, axis=-1)
    xd = codebook[idx]
    counts = jnp.zeros((codebook.shape[0],), dtype=jnp.float32).at[idx].add(1.0)
    prob = counts / xf.shape[0]
    perplexity = jnp.exp(-jnp.sum(prob * jnp.log(prob + 1e-7)))
    commit = jnp.mean((xf - jax.lax.stop_gradient(xd)) ** 2)
    xst = xf + jax.lax.stop_gradient(xd - xf)
    xst = jnp.transpose(xst.reshape(N, Tt, C), (0, 2, 1))
    return xst, commit, perplexity


def setup_inputs(seed: int = 0):
    key = jax.random.key(seed)
    k = jax.random.split(key, 6)
    x = jax.random.normal(k[0], (BATCH, T, OUT_DIM), dtype=jnp.float32)
    params = {
        'enc_up': _make_encoder(k[1], UPPER_DIM, HALF),
        'enc_low': _make_encoder(k[2], LOWER_DIM, HALF),
        'dec': _make_decoder(k[3], CODE_DIM, OUT_DIM),
        'cb_up': jax.random.normal(k[4], (NB_CODE, HALF), dtype=jnp.float32),
        'cb_low': jax.random.normal(k[5], (NB_CODE, HALF), dtype=jnp.float32),
    }
    return {'x': x, 'params': params}


def reference(x, params):
    upper_emb, lower_emb = upper_lower_sep(x)
    up = jnp.transpose(upper_emb, (0, 2, 1)).astype(jnp.float32)
    up = encoder_fwd(params['enc_up'], up)
    up, loss_u, perplexity = quantize_ema(params['cb_up'], up)
    low = jnp.transpose(lower_emb, (0, 2, 1)).astype(jnp.float32)
    low = encoder_fwd(params['enc_low'], low)
    low, loss_l, perplexity = quantize_ema(params['cb_low'], low)
    loss = loss_u + loss_l
    xq = jnp.concatenate([up, low], axis=1)
    xd = decoder_fwd(params['dec'], xq)
    x_out = jnp.transpose(xd, (0, 2, 1))
    return x_out, loss, perplexity

if __name__ == "__main__":
    import jax
    _d = setup_inputs()
    print(jax.jit(kernel)(*tuple(_d.values())))

</pallas_src>

<mosaic_0001>
#map = affine_map<(d0, d1) -> (0, 0)>
#map1 = affine_map<(d0, d1) -> (0)>
module attributes {stable_mosaic.version = 14 : i64} {
  func.func @k(%arg0: i32, %arg1: i32, %arg2: memref<512x256xf32, #tpu.memory_space<hbm>>, %arg3: memref<512x256xf32, #tpu.memory_space<hbm>>, %arg4: memref<512xi32, #tpu.memory_space<hbm>>, %arg5: memref<512xi32, #tpu.memory_space<hbm>>, %arg6: memref<512x256xf32, #tpu.memory_space<hbm>>, %arg7: memref<512x256xf32, #tpu.memory_space<hbm>>, %arg8: memref<16xi32, #tpu.memory_space<vmem>>, %arg9: memref<16x256xf32, #tpu.memory_space<vmem>>, %arg10: memref<!tpu.dma_semaphore, #tpu.memory_space<semaphore_mem>>) attributes {dimension_semantics = [#tpu.dimension_semantics<core_parallel>, #tpu.dimension_semantics<subcore_parallel>], iteration_bounds = array<i64: 2, 16>, scalar_prefetch = 0 : i64, scratch_operands = 3 : i64, tpu.core_type = #tpu.core_type<sc_vector_subcore>, window_params = [{transform_indices = #map}, {transform_indices = #map}, {transform_indices = #map1}, {transform_indices = #map1}, {transform_indices = #map}, {transform_indices = #map}]} {
    %mul3A = arith.constant 2 : i32
    %mul3A_0 = arith.muli %arg1, %mul3A : i32
    %add3A = arith.addi %mul3A_0, %arg0 : i32
    %mul3A_1 = arith.constant 16 : i32
    %mul3A_2 = arith.muli %add3A, %mul3A_1 : i32
    "tpu.region"() ({
      %run_scoped3A = tpu.sem_alloc : memref<!tpu.dma_semaphore, #tpu.memory_space<semaphore_mem>>
      %dma_start3A_13 = tpu.memref_slice %arg4[%mul3A_2] : memref<512xi32, #tpu.memory_space<hbm>> -> memref<16xi32, #tpu.memory_space<hbm>>
      %dma_start3A_14 = tpu.memref_slice %arg4[%mul3A_2] : memref<512xi32, #tpu.memory_space<hbm>> -> memref<16xi32, #tpu.memory_space<hbm>>
      tpu.enqueue_dma source(%dma_start3A_14 : memref<16xi32, #tpu.memory_space<hbm>>) target(%arg8 : memref<16xi32, #tpu.memory_space<vmem>>) target_semaphore(%run_scoped3A : memref<!tpu.dma_semaphore, #tpu.memory_space<semaphore_mem>>)
      %dma_wait3A_15 = tpu.memref_slice %arg4[%mul3A_2] : memref<512xi32, #tpu.memory_space<hbm>> -> memref<16xi32, #tpu.memory_space<hbm>>
      %dma_wait3A_16 = tpu.memref_slice %arg4[%mul3A_2] : memref<512xi32, #tpu.memory_space<hbm>> -> memref<16xi32, #tpu.memory_space<hbm>>
      tpu.wait_dma2 semaphore(%run_scoped3A : memref<!tpu.dma_semaphore, #tpu.memory_space<semaphore_mem>>) src(%dma_wait3A_16 : memref<16xi32, #tpu.memory_space<hbm>>) dst(%arg8 : memref<16xi32, #tpu.memory_space<vmem>>)
      tpu.yield
    }) : () -> ()
    %dma_start3A = arith.constant 0 : i32
    %dma_start3A_3 = arith.constant 0 : i32
    %dma_start3A_4 = tpu.memref_slice %arg2[%dma_start3A, %dma_start3A_3] : memref<512x256xf32, #tpu.memory_space<hbm>> -> memref<512x256xf32, #tpu.memory_space<hbm>>
    tpu.enqueue_indirect_dma source(%dma_start3A_4 : memref<512x256xf32, #tpu.memory_space<hbm>>) target(%arg9 : memref<16x256xf32, #tpu.memory_space<vmem>>) offsets(%arg8 : memref<16xi32, #tpu.memory_space<vmem>>) semaphore(%arg10 : memref<!tpu.dma_semaphore, #tpu.memory_space<semaphore_mem>>)
    %dma_wait3A = arith.constant 0 : i32
    %dma_wait3A_5 = arith.constant 0 : i32
    %dma_wait3A_6 = tpu.memref_slice %arg2[%dma_wait3A, %dma_wait3A_5] : memref<512x256xf32, #tpu.memory_space<hbm>> -> memref<512x256xf32, #tpu.memory_space<hbm>>
    tpu.wait_indirect_dma semaphore(%arg10 : memref<!tpu.dma_semaphore, #tpu.memory_space<semaphore_mem>>) src(%dma_wait3A_6 : memref<512x256xf32, #tpu.memory_space<hbm>>) dst(%arg9 : memref<16x256xf32, #tpu.memory_space<vmem>>)
    "tpu.region"() ({
      %run_scoped3A = tpu.sem_alloc : memref<!tpu.dma_semaphore, #tpu.memory_space<semaphore_mem>>
      %dma_start3A_13 = arith.constant 0 : i32
      %dma_start3A_14 = tpu.memref_slice %arg6[%mul3A_2, %dma_start3A_13] : memref<512x256xf32, #tpu.memory_space<hbm>> -> memref<16x256xf32, #tpu.memory_space<hbm>>
      %dma_start3A_15 = arith.constant 0 : i32
      %dma_start3A_16 = tpu.memref_slice %arg6[%mul3A_2, %dma_start3A_15] : memref<512x256xf32, #tpu.memory_space<hbm>> -> memref<16x256xf32, #tpu.memory_space<hbm>>
      tpu.enqueue_dma source(%arg9 : memref<16x256xf32, #tpu.memory_space<vmem>>) target(%dma_start3A_16 : memref<16x256xf32, #tpu.memory_space<hbm>>) target_semaphore(%run_scoped3A : memref<!tpu.dma_semaphore, #tpu.memory_space<semaphore_mem>>)
      %dma_wait3A_17 = arith.constant 0 : i32
      %dma_wait3A_18 = tpu.memref_slice %arg6[%mul3A_2, %dma_wait3A_17] : memref<512x256xf32, #tpu.memory_space<hbm>> -> memref<16x256xf32, #tpu.memory_space<hbm>>
      %dma_wait3A_19 = arith.constant 0 : i32
      %dma_wait3A_20 = tpu.memref_slice %arg6[%mul3A_2, %dma_wait3A_19] : memref<512x256xf32, #tpu.memory_space<hbm>> -> memref<16x256xf32, #tpu.memory_space<hbm>>
      tpu.wait_dma2 semaphore(%run_scoped3A : memref<!tpu.dma_semaphore, #tpu.memory_space<semaphore_mem>>) src(%arg9 : memref<16x256xf32, #tpu.memory_space<vmem>>) dst(%dma_wait3A_20 : memref<16x256xf32, #tpu.memory_space<hbm>>)
      tpu.yield
    }) : () -> ()
    "tpu.region"() ({
      %run_scoped3A = tpu.sem_alloc : memref<!tpu.dma_semaphore, #tpu.memory_space<semaphore_mem>>
      %dma_start3A_13 = tpu.memref_slice %arg5[%mul3A_2] : memref<512xi32, #tpu.memory_space<hbm>> -> memref<16xi32, #tpu.memory_space<hbm>>
      %dma_start3A_14 = tpu.memref_slice %arg5[%mul3A_2] : memref<512xi32, #tpu.memory_space<hbm>> -> memref<16xi32, #tpu.memory_space<hbm>>
      tpu.enqueue_dma source(%dma_start3A_14 : memref<16xi32, #tpu.memory_space<hbm>>) target(%arg8 : memref<16xi32, #tpu.memory_space<vmem>>) target_semaphore(%run_scoped3A : memref<!tpu.dma_semaphore, #tpu.memory_space<semaphore_mem>>)
      %dma_wait3A_15 = tpu.memref_slice %arg5[%mul3A_2] : memref<512xi32, #tpu.memory_space<hbm>> -> memref<16xi32, #tpu.memory_space<hbm>>
      %dma_wait3A_16 = tpu.memref_slice %arg5[%mul3A_2] : memref<512xi32, #tpu.memory_space<hbm>> -> memref<16xi32, #tpu.memory_space<hbm>>
      tpu.wait_dma2 semaphore(%run_scoped3A : memref<!tpu.dma_semaphore, #tpu.memory_space<semaphore_mem>>) src(%dma_wait3A_16 : memref<16xi32, #tpu.memory_space<hbm>>) dst(%arg8 : memref<16xi32, #tpu.memory_space<vmem>>)
      tpu.yield
    }) : () -> ()
    %dma_start3A_7 = arith.constant 0 : i32
    %dma_start3A_8 = arith.constant 0 : i32
    %dma_start3A_9 = tpu.memref_slice %arg3[%dma_start3A_7, %dma_start3A_8] : memref<512x256xf32, #tpu.memory_space<hbm>> -> memref<512x256xf32, #tpu.memory_space<hbm>>
    tpu.enqueue_indirect_dma source(%dma_start3A_9 : memref<512x256xf32, #tpu.memory_space<hbm>>) target(%arg9 : memref<16x256xf32, #tpu.memory_space<vmem>>) offsets(%arg8 : memref<16xi32, #tpu.memory_space<vmem>>) semaphore(%arg10 : memref<!tpu.dma_semaphore, #tpu.memory_space<semaphore_mem>>)
    %dma_wait3A_10 = arith.constant 0 : i32
    %dma_wait3A_11 = arith.constant 0 : i32
    %dma_wait3A_12 = tpu.memref_slice %arg3[%dma_wait3A_10, %dma_wait3A_11] : memref<512x256xf32, #tpu.memory_space<hbm>> -> memref<512x256xf32, #tpu.memory_space<hbm>>
    tpu.wait_indirect_dma semaphore(%arg10 : memref<!tpu.dma_semaphore, #tpu.memory_space<semaphore_mem>>) src(%dma_wait3A_12 : memref<512x256xf32, #tpu.memory_space<hbm>>) dst(%arg9 : memref<16x256xf32, #tpu.memory_space<vmem>>)
    "tpu.region"() ({
      %run_scoped3A = tpu.sem_alloc : memref<!tpu.dma_semaphore, #tpu.memory_space<semaphore_mem>>
      %dma_start3A_13 = arith.constant 0 : i32
      %dma_start3A_14 = tpu.memref_slice %arg7[%mul3A_2, %dma_start3A_13] : memref<512x256xf32, #tpu.memory_space<hbm>> -> memref<16x256xf32, #tpu.memory_space<hbm>>
      %dma_start3A_15 = arith.constant 0 : i32
      %dma_start3A_16 = tpu.memref_slice %arg7[%mul3A_2, %dma_start3A_15] : memref<512x256xf32, #tpu.memory_space<hbm>> -> memref<16x256xf32, #tpu.memory_space<hbm>>
      tpu.enqueue_dma source(%arg9 : memref<16x256xf32, #tpu.memory_space<vmem>>) target(%dma_start3A_16 : memref<16x256xf32, #tpu.memory_space<hbm>>) target_semaphore(%run_scoped3A : memref<!tpu.dma_semaphore, #tpu.memory_space<semaphore_mem>>)
      %dma_wait3A_17 = arith.constant 0 : i32
      %dma_wait3A_18 = tpu.memref_slice %arg7[%mul3A_2, %dma_wait3A_17] : memref<512x256xf32, #tpu.memory_space<hbm>> -> memref<16x256xf32, #tpu.memory_space<hbm>>
      %dma_wait3A_19 = arith.constant 0 : i32
      %dma_wait3A_20 = tpu.memref_slice %arg7[%mul3A_2, %dma_wait3A_19] : memref<512x256xf32, #tpu.memory_space<hbm>> -> memref<16x256xf32, #tpu.memory_space<hbm>>
      tpu.wait_dma2 semaphore(%run_scoped3A : memref<!tpu.dma_semaphore, #tpu.memory_space<semaphore_mem>>) src(%arg9 : memref<16x256xf32, #tpu.memory_space<vmem>>) dst(%dma_wait3A_20 : memref<16x256xf32, #tpu.memory_space<hbm>>)
      tpu.yield
    }) : () -> ()
    return
  }
}

module attributes {stable_mosaic.version = 14 : i64} {
  func.func @_enc_body(%arg0: memref<64x32x112xf32, #tpu.memory_space<vmem>>, %arg1: memref<336x512xbf16, #tpu.memory_space<vmem>>, %arg2: memref<1x512xf32, #tpu.memory_space<vmem>>, %arg3: memref<2048x512xbf16, #tpu.memory_space<vmem>>, %arg4: memref<1x512xf32, #tpu.memory_space<vmem>>, %arg5: memref<1536x512xbf16, #tpu.memory_space<vmem>>, %arg6: memref<1x512xf32, #tpu.memory_space<vmem>>, %arg7: memref<512x512xbf16, #tpu.memory_space<vmem>>, %arg8: memref<1x512xf32, #tpu.memory_space<vmem>>, %arg9: memref<1536x512xbf16, #tpu.memory_space<vmem>>, %arg10: memref<1x512xf32, #tpu.memory_space<vmem>>, %arg11: memref<512x512xbf16, #tpu.memory_space<vmem>>, %arg12: memref<1x512xf32, #tpu.memory_space<vmem>>, %arg13: memref<1536x512xbf16, #tpu.memory_space<vmem>>, %arg14: memref<1x512xf32, #tpu.memory_space<vmem>>, %arg15: memref<512x512xbf16, #tpu.memory_space<vmem>>, %arg16: memref<1x512xf32, #tpu.memory_space<vmem>>, %arg17: memref<2048x512xbf16, #tpu.memory_space<vmem>>, %arg18: memref<1x512xf32, #tpu.memory_space<vmem>>, %arg19: memref<1536x512xbf16, #tpu.memory_space<vmem>>, %arg20: memref<1x512xf32, #tpu.memory_space<vmem>>, %arg21: memref<512x512xbf16, #tpu.memory_space<vmem>>, %arg22: memref<1x512xf32, #tpu.memory_space<vmem>>, %arg23: memref<1536x512xbf16, #tpu.memory_space<vmem>>, %arg24: memref<1x512xf32, #tpu.memory_space<vmem>>, %arg25: memref<512x512xbf16, #tpu.memory_space<vmem>>, %arg26: memref<1x512xf32, #tpu.memory_space<vmem>>, %arg27: memref<1536x512xbf16, #tpu.memory_space<vmem>>, %arg28: memref<1x512xf32, #tpu.memory_space<vmem>>, %arg29: memref<512x512xbf16, #tpu.memory_space<vmem>>, %arg30: memref<1x512xf32, #tpu.memory_space<vmem>>, %arg31: memref<1536x256xbf16, #tpu.memory_space<vmem>>, %arg32: memref<1x256xf32, #tpu.memory_space<vmem>>, %arg33: memref<512x256xf32, #tpu.memory_space<vmem>>, %arg34: memref<256x512xbf16, #tpu.memory_space<vmem>>, %arg35: memref<512x256xf32, #tpu.memory_space<vmem>>, %arg36: memref<512xi32, #tpu.memory_space<vmem>>) attributes {dimension_semantics = [], scalar_prefetch = 0 : i64, scratch_operands = 0 : i64, tpu.core_type = #tpu.core_type<tc>} {
    %get3A = arith.constant 0 : index
    %get3A_0 = arith.constant 0 : index
    %get3A_1 = arith.constant 0 : index
    %get3A_2 = vector.load %arg0[%get3A, %get3A_0, %get3A_1] : memref<64x32x112xf32, #tpu.memory_space<vmem>>, vector<64x32x112xf32>
    %get3A_3 = arith.constant 0 : index
    %get3A_4 = arith.constant 0 : index
    %get3A_5 = vector.load %arg1[%get3A_3, %get3A_4] : memref<336x512xbf16, #tpu.memory_space<vmem>>, vector<336x512xbf16>
    %get3A_6 = arith.constant 0 : index
    %get3A_7 = arith.constant 0 : index
    %get3A_8 = vector.load %arg2[%get3A_6, %get3A_7] : memref<1x512xf32, #tpu.memory_space<vmem>>, vector<1x512xf32>
    %get3A_9 = arith.constant 0 : index
    %get3A_10 = arith.constant 0 : index
    %get3A_11 = vector.load %arg3[%get3A_9, %get3A_10] : memref<2048x512xbf16, #tpu.memory_space<vmem>>, vector<2048x512xbf16>
    %get3A_12 = arith.constant 0 : index
    %get3A_13 = arith.constant 0 : index
    %get3A_14 = vector.load %arg4[%get3A_12, %get3A_13] : memref<1x512xf32, #tpu.memory_space<vmem>>, vector<1x512xf32>
    %get3A_15 = arith.constant 0 : index
    %get3A_16 = arith.constant 0 : index
    %get3A_17 = vector.load %arg5[%get3A_15, %get3A_16] : memref<1536x512xbf16, #tpu.memory_space<vmem>>, vector<1536x512xbf16>
    %get3A_18 = arith.constant 0 : index
    %get3A_19 = arith.constant 0 : index
    %get3A_20 = vector.load %arg6[%get3A_18, %get3A_19] : memref<1x512xf32, #tpu.memory_space<vmem>>, vector<1x512xf32>
    %get3A_21 = arith.constant 0 : index
    %get3A_22 = arith.constant 0 : index
    %get3A_23 = vector.load %arg7[%get3A_21, %get3A_22] : memref<512x512xbf16, #tpu.memory_space<vmem>>, vector<512x512xbf16>
    %get3A_24 = arith.constant 0 : index
    %get3A_25 = arith.constant 0 : index
    %get3A_26 = vector.load %arg8[%get3A_24, %get3A_25] : memref<1x512xf32, #tpu.memory_space<vmem>>, vector<1x512xf32>
    %get3A_27 = arith.constant 0 : index
    %get3A_28 = arith.constant 0 : index
    %get3A_29 = vector.load %arg9[%get3A_27, %get3A_28] : memref<1536x512xbf16, #tpu.memory_space<vmem>>, vector<1536x512xbf16>
    %get3A_30 = arith.constant 0 : index
    %get3A_31 = arith.constant 0 : index
    %get3A_32 = vector.load %arg10[%get3A_30, %get3A_31] : memref<1x512xf32, #tpu.memory_space<vmem>>, vector<1x512xf32>
    %get3A_33 = arith.constant 0 : index
    %get3A_34 = arith.constant 0 : index
    %get3A_35 = vector.load %arg11[%get3A_33, %get3A_34] : memref<512x512xbf16, #tpu.memory_space<vmem>>, vector<512x512xbf16>
    %get3A_36 = arith.constant 0 : index
    %get3A_37 = arith.constant 0 : index
    %get3A_38 = vector.load %arg12[%get3A_36, %get3A_37] : memref<1x512xf32, #tpu.memory_space<vmem>>, vector<1x512xf32>
    %get3A_39 = arith.constant 0 : index
    %get3A_40 = arith.constant 0 : index
    %get3A_41 = vector.load %arg13[%get3A_39, %get3A_40] : memref<1536x512xbf16, #tpu.memory_space<vmem>>, vector<1536x512xbf16>
    %get3A_42 = arith.constant 0 : index
    %get3A_43 = arith.constant 0 : index
    %get3A_44 = vector.load %arg14[%get3A_42, %get3A_43] : memref<1x512xf32, #tpu.memory_space<vmem>>, vector<1x512xf32>
    %get3A_45 = arith.constant 0 : index
    %get3A_46 = arith.constant 0 : index
    %get3A_47 = vector.load %arg15[%get3A_45, %get3A_46] : memref<512x512xbf16, #tpu.memory_space<vmem>>, vector<512x512xbf16>
    %get3A_48 = arith.constant 0 : index
    %get3A_49 = arith.constant 0 : index
    %get3A_50 = vector.load %arg16[%get3A_48, %get3A_49] : memref<1x512xf32, #tpu.memory_space<vmem>>, vector<1x512xf32>
    %get3A_51 = arith.constant 0 : index
    %get3A_52 = arith.constant 0 : index
    %get3A_53 = vector.load %arg17[%get3A_51, %get3A_52] : memref<2048x512xbf16, #tpu.memory_space<vmem>>, vector<2048x512xbf16>
    %get3A_54 = arith.constant 0 : index
    %get3A_55 = arith.constant 0 : index
    %get3A_56 = vector.load %arg18[%get3A_54, %get3A_55] : memref<1x512xf32, #tpu.memory_space<vmem>>, vector<1x512xf32>
    %get3A_57 = arith.constant 0 : index
    %get3A_58 = arith.constant 0 : index
    %get3A_59 = vector.load %arg19[%get3A_57, %get3A_58] : memref<1536x512xbf16, #tpu.memory_space<vmem>>, vector<1536x512xbf16>
    %get3A_60 = arith.constant 0 : index
    %get3A_61 = arith.constant 0 : index
    %get3A_62 = vector.load %arg20[%get3A_60, %get3A_61] : memref<1x512xf32, #tpu.memory_space<vmem>>, vector<1x512xf32>
    %get3A_63 = arith.constant 0 : index
    %get3A_64 = arith.constant 0 : index
    %get3A_65 = vector.load %arg21[%get3A_63, %get3A_64] : memref<512x512xbf16, #tpu.memory_space<vmem>>, vector<512x512xbf16>
    %get3A_66 = arith.constant 0 : index
    %get3A_67 = arith.constant 0 : index
    %get3A_68 = vector.load %arg22[%get3A_66, %get3A_67] : memref<1x512xf32, #tpu.memory_space<vmem>>, vector<1x512xf32>
    %get3A_69 = arith.constant 0 : index
    %get3A_70 = arith.constant 0 : index
    %get3A_71 = vector.load %arg23[%get3A_69, %get3A_70] : memref<1536x512xbf16, #tpu.memory_space<vmem>>, vector<1536x512xbf16>
    %get3A_72 = arith.constant 0 : index
    %get3A_73 = arith.constant 0 : index
    %get3A_74 = vector.load %arg24[%get3A_72, %get3A_73] : memref<1x512xf32, #tpu.memory_space<vmem>>, vector<1x512xf32>
    %get3A_75 = arith.constant 0 : index
    %get3A_76 = arith.constant 0 : index
    %get3A_77 = vector.load %arg25[%get3A_75, %get3A_76] : memref<512x512xbf16, #tpu.memory_space<vmem>>, vector<512x512xbf16>
    %get3A_78 = arith.constant 0 : index
    %get3A_79 = arith.constant 0 : index
    %get3A_80 = vector.load %arg26[%get3A_78, %get3A_79] : memref<1x512xf32, #tpu.memory_space<vmem>>, vector<1x512xf32>
    %get3A_81 = arith.constant 0 : index
    %get3A_82 = arith.constant 0 : index
    %get3A_83 = vector.load %arg27[%get3A_81, %get3A_82] : memref<1536x512xbf16, #tpu.memory_space<vmem>>, vector<1536x512xbf16>
    %get3A_84 = arith.constant 0 : index
    %get3A_85 = arith.constant 0 : index
    %get3A_86 = vector.load %arg28[%get3A_84, %get3A_85] : memref<1x512xf32, #tpu.memory_space<vmem>>, vector<1x512xf32>
    %get3A_87 = arith.constant 0 : index
    %get3A_88 = arith.constant 0 : index
    %get3A_89 = vector.load %arg29[%get3A_87, %get3A_88] : memref<512x512xbf16, #tpu.memory_space<vmem>>, vector<512x512xbf16>
    %get3A_90 = arith.constant 0 : index
    %get3A_91 = arith.constant 0 : index
    %get3A_92 = vector.load %arg30[%get3A_90, %get3A_91] : memref<1x512xf32, #tpu.memory_space<vmem>>, vector<1x512xf32>
    %get3A_93 = arith.constant 0 : index
    %get3A_94 = arith.constant 0 : index
    %get3A_95 = vector.load %arg31[%get3A_93, %get3A_94] : memref<1536x256xbf16, #tpu.memory_space<vmem>>, vector<1536x256xbf16>
    %get3A_96 = arith.constant 0 : index
    %get3A_97 = arith.constant 0 : index
    %get3A_98 = vector.load %arg32[%get3A_96, %get3A_97] : memref<1x256xf32, #tpu.memory_space<vmem>>, vector<1x256xf32>
    %get3A_99 = arith.constant 0 : index
    %get3A_100 = arith.constant 0 : index
    %get3A_101 = vector.load %arg33[%get3A_99, %get3A_100] : memref<512x256xf32, #tpu.memory_space<vmem>>, vector<512x256xf32>
    %get3A_102 = arith.constant 0 : index
    %get3A_103 = arith.constant 0 : index
    %get3A_104 = vector.load %arg34[%get3A_102, %get3A_103] : memref<256x512xbf16, #tpu.memory_space<vmem>>, vector<256x512xbf16>
    %convert_element_type3A = arith.truncf %get3A_2 : vector<64x32x112xf32> to vector<64x32x112xbf16>
    %jit3A = arith.constant 0 : i32
    %convert_element_type3A_105 = arith.sitofp %jit3A : i32 to bf16
    %pad3A = vector.broadcast %convert_element_type3A_105 : bf16 to vector<1x32x112xbf16>
    %pad3A_106 = tpu.concatenate %pad3A, %convert_element_type3A in 0 : vector<1x32x112xbf16>, vector<64x32x112xbf16> -> vector<65x32x112xbf16>
    %pad3A_107 = vector.broadcast %convert_element_type3A_105 : bf16 to vector<1x32x112xbf16>
    %pad3A_108 = tpu.concatenate %pad3A_106, %pad3A_107 in 0 : vector<65x32x112xbf16>, vector<1x32x112xbf16> -> vector<66x32x112xbf16>
    %slice3A = vector.extract_strided_slice %pad3A_108 {offsets = [0, 0, 0], sizes = [64, 32, 112], strides = [1, 1, 1]} : vector<66x32x112xbf16> to vector<64x32x112xbf16>
    %reshape3A = vector.shape_cast %slice3A : vector<64x32x112xbf16> to vector<2048x112xbf16>
    %slice3A_109 = vector.extract_strided_slice %pad3A_108 {offsets = [1, 0, 0], sizes = [64, 32, 112], strides = [1, 1, 1]} : vector<66x32x112xbf16> to vector<64x32x112xbf16>
    %reshape3A_110 = vector.shape_cast %slice3A_109 : vector<64x32x112xbf16> to vector<2048x112xbf16>
    %slice3A_111 = vector.extract_strided_slice %pad3A_108 {offsets = [2, 0, 0], sizes = [64, 32, 112], strides = [1, 1, 1]} : vector<66x32x112xbf16> to vector<64x32x112xbf16>
    %reshape3A_112 = vector.shape_cast %slice3A_111 : vector<64x32x112xbf16> to vector<2048x112xbf16>
    %concatenate3A = tpu.concatenate %reshape3A, %reshape3A_110, %reshape3A_112 in 1 : vector<2048x112xbf16>, vector<2048x112xbf16>, vector<2048x112xbf16> -> vector<2048x336xbf16>
    %dot_general3A = arith.constant dense<0.000000e+00> : vector<2048x512xf32>
    %dot_general3A_113 = tpu.matmul %concatenate3A, %get3A_5, %dot_general3A {dimension_numbers = #tpu.dot_dimension_numbers<[1], [0], [0], [1], [0, 0, 1, 1], [], []>, transpose_lhs_hint = false} : vector<2048x336xbf16>, vector<336x512xbf16>, vector<2048x512xf32> -> vector<2048x512xf32>
    %add3A = vector.broadcast %get3A_8 : vector<1x512xf32> to vector<2048x512xf32>
    %add3A_114 = arith.addf %dot_general3A_113, %add3A : vector<2048x512xf32>
    %reshape3A_115 = vector.shape_cast %add3A_114 : vector<2048x512xf32> to vector<64x32x512xf32>
    %max3A = arith.constant 0.000000e+00 : f32
    %max3A_116 = vector.broadcast %max3A : f32 to vector<64x32x512xf32>
    %max3A_117 = arith.maximumf %reshape3A_115, %max3A_116 : vector<64x32x512xf32>
    %convert_element_type3A_118 = arith.truncf %max3A_117 : vector<64x32x512xf32> to vector<64x32x512xbf16>
    %jit3A_119 = arith.constant 0 : i32
    %convert_element_type3A_120 = arith.sitofp %jit3A_119 : i32 to bf16
    %pad3A_121 = vector.broadcast %convert_element_type3A_120 : bf16 to vector<1x32x512xbf16>
    %pad3A_122 = tpu.concatenate %pad3A_121, %convert_element_type3A_118 in 0 : vector<1x32x512xbf16>, vector<64x32x512xbf16> -> vector<65x32x512xbf16>
    %pad3A_123 = vector.broadcast %convert_element_type3A_120 : bf16 to vector<1x32x512xbf16>
    %pad3A_124 = tpu.concatenate %pad3A_122, %pad3A_123 in 0 : vector<65x32x512xbf16>, vector<1x32x512xbf16> -> vector<66x32x512xbf16>
    %reshape3A_125 = vector.shape_cast %pad3A_124 : vector<66x32x512xbf16> to vector<33x2x32x512xbf16>
    %slice3A_126 = vector.extract_strided_slice %reshape3A_125 {offsets = [0, 0, 0, 0], sizes = [32, 1, 32, 512], strides = [1, 1, 1, 1]} : vector<33x2x32x512xbf16> to vector<32x1x32x512xbf16>
    %squeeze3A = vector.shape_cast %slice3A_126 : vector<32x1x32x512xbf16> to vector<32x32x512xbf16>
    %slice3A_127 = vector.extract_strided_slice %reshape3A_125 {offsets = [0, 1, 0, 0], sizes = [32, 1, 32, 512], strides = [1, 1, 1, 1]} : vector<33x2x32x512xbf16> to vector<32x1x32x512xbf16>
    %squeeze3A_128 = vector.shape_cast %slice3A_127 : vector<32x1x32x512xbf16> to vector<32x32x512xbf16>
    %slice3A_129 = vector.extract_strided_slice %reshape3A_125 {offsets = [1, 0, 0, 0], sizes = [32, 1, 32, 512], strides = [1, 1, 1, 1]} : vector<33x2x32x512xbf16> to vector<32x1x32x512xbf16>
    %squeeze3A_130 = vector.shape_cast %slice3A_129 : vector<32x1x32x512xbf16> to vector<32x32x512xbf16>
    %slice3A_131 = vector.extract_strided_slice %reshape3A_125 {offsets = [1, 1, 0, 0], sizes = [32, 1, 32, 512], strides = [1, 1, 1, 1]} : vector<33x2x32x512xbf16> to vector<32x1x32x512xbf16>
    %squeeze3A_132 = vector.shape_cast %slice3A_131 : vector<32x1x32x512xbf16> to vector<32x32x512xbf16>
    %reshape3A_133 = vector.shape_cast %squeeze3A : vector<32x32x512xbf16> to vector<1024x512xbf16>
    %reshape3A_134 = vector.shape_cast %squeeze3A_128 : vector<32x32x512xbf16> to vector<1024x512xbf16>
    %reshape3A_135 = vector.shape_cast %squeeze3A_130 : vector<32x32x512xbf16> to vector<1024x512xbf16>
    %reshape3A_136 = vector.shape_cast %squeeze3A_132 : vector<32x32x512xbf16> to vector<1024x512xbf16>
    %concatenate3A_137 = tpu.concatenate %reshape3A_133, %reshape3A_134, %reshape3A_135, %reshape3A_136 in 1 : vector<1024x512xbf16>, vector<1024x512xbf16>, vector<1024x512xbf16>, vector<1024x512xbf16> -> vector<1024x2048xbf16>
    %dot_general3A_138 = arith.constant dense<0.000000e+00> : vector<1024x512xf32>
    %dot_general3A_139 = tpu.matmul %concatenate3A_137, %get3A_11, %dot_general3A_138 {dimension_numbers = #tpu.dot_dimension_numbers<[1], [0], [0], [1], [0, 0, 1, 1], [], []>, transpose_lhs_hint = false} : vector<1024x2048xbf16>, vector<2048x512xbf16>, vector<1024x512xf32> -> vector<1024x512xf32>
    %add3A_140 = vector.broadcast %get3A_14 : vector<1x512xf32> to vector<1024x512xf32>
    %add3A_141 = arith.addf %dot_general3A_139, %add3A_140 : vector<1024x512xf32>
    %reshape3A_142 = vector.shape_cast %add3A_141 : vector<1024x512xf32> to vector<32x32x512xf32>
    %max3A_143 = arith.constant 0.000000e+00 : f32
    %max3A_144 = vector.broadcast %max3A_143 : f32 to vector<32x32x512xf32>
    %max3A_145 = arith.maximumf %reshape3A_142, %max3A_144 : vector<32x32x512xf32>
    %convert_element_type3A_146 = arith.truncf %max3A_145 : vector<32x32x512xf32> to vector<32x32x512xbf16>
    %jit3A_147 = arith.constant 0 : i32
    %convert_element_type3A_148 = arith.sitofp %jit3A_147 : i32 to bf16
    %pad3A_149 = vector.broadcast %convert_element_type3A_148 : bf16 to vector<1x32x512xbf16>
    %pad3A_150 = tpu.concatenate %pad3A_149, %convert_element_type3A_146 in 0 : vector<1x32x512xbf16>, vector<32x32x512xbf16> -> vector<33x32x512xbf16>
    %pad3A_151 = vector.broadcast %convert_element_type3A_148 : bf16 to vector<1x32x512xbf16>
    %pad3A_152 = tpu.concatenate %pad3A_150, %pad3A_151 in 0 : vector<33x32x512xbf16>, vector<1x32x512xbf16> -> vector<34x32x512xbf16>
    %slice3A_153 = vector.extract_strided_slice %pad3A_152 {offsets = [0, 0, 0], sizes = [32, 32, 512], strides = [1, 1, 1]} : vector<34x32x512xbf16> to vector<32x32x512xbf16>
    %reshape3A_154 = vector.shape_cast %slice3A_153 : vector<32x32x512xbf16> to vector<1024x512xbf16>
    %slice3A_155 = vector.extract_strided_slice %pad3A_152 {offsets = [1, 0, 0], sizes = [32, 32, 512], strides = [1, 1, 1]} : vector<34x32x512xbf16> to vector<32x32x512xbf16>
    %reshape3A_156 = vector.shape_cast %slice3A_155 : vector<32x32x512xbf16> to vector<1024x512xbf16>
    %slice3A_157 = vector.extract_strided_slice %pad3A_152 {offsets = [2, 0, 0], sizes = [32, 32, 512], strides = [1, 1, 1]} : vector<34x32x512xbf16> to vector<32x32x512xbf16>
    %reshape3A_158 = vector.shape_cast %slice3A_157 : vector<32x32x512xbf16> to vector<1024x512xbf16>
    %concatenate3A_159 = tpu.concatenate %reshape3A_154, %reshape3A_156, %reshape3A_158 in 1 : vector<1024x512xbf16>, vector<1024x512xbf16>, vector<1024x512xbf16> -> vector<1024x1536xbf16>
    %dot_general3A_160 = arith.constant dense<0.000000e+00> : vector<1024x512xf32>
    %dot_general3A_161 = tpu.matmul %concatenate3A_159, %get3A_17, %dot_general3A_160 {dimension_numbers = #tpu.dot_dimension_numbers<[1], [0], [0], [1], [0, 0, 1, 1], [], []>, transpose_lhs_hint = false} : vector<1024x1536xbf16>, vector<1536x512xbf16>, vector<1024x512xf32> -> vector<1024x512xf32>
    %add3A_162 = vector.broadcast %get3A_20 : vector<1x512xf32> to vector<1024x512xf32>
    %add3A_163 = arith.addf %dot_general3A_161, %add3A_162 : vector<1024x512xf32>
    %reshape3A_164 = vector.shape_cast %add3A_163 : vector<1024x512xf32> to vector<32x32x512xf32>
    %max3A_165 = arith.constant 0.000000e+00 : f32
    %max3A_166 = vector.broadcast %max3A_165 : f32 to vector<32x32x512xf32>
    %max3A_167 = arith.maximumf %reshape3A_164, %max3A_166 : vector<32x32x512xf32>
    %convert_element_type3A_168 = arith.truncf %max3A_167 : vector<32x32x512xf32> to vector<32x32x512xbf16>
    %slice3A_169 = vector.extract_strided_slice %convert_element_type3A_168 {offsets = [0, 0, 0], sizes = [32, 32, 512], strides = [1, 1, 1]} : vector<32x32x512xbf16> to vector<32x32x512xbf16>
    %reshape3A_170 = vector.shape_cast %slice3A_169 : vector<32x32x512xbf16> to vector<1024x512xbf16>
    %dot_general3A_171 = arith.constant dense<0.000000e+00> : vector<1024x512xf32>
    %dot_general3A_172 = tpu.matmul %reshape3A_170, %get3A_23, %dot_general3A_171 {dimension_numbers = #tpu.dot_dimension_numbers<[1], [0], [0], [1], [0, 0, 1, 1], [], []>, transpose_lhs_hint = false} : vector<1024x512xbf16>, vector<512x512xbf16>, vector<1024x512xf32> -> vector<1024x512xf32>
    %add3A_173 = vector.broadcast %get3A_26 : vector<1x512xf32> to vector<1024x512xf32>
    %add3A_174 = arith.addf %dot_general3A_172, %add3A_173 : vector<1024x512xf32>
    %reshape3A_175 = vector.shape_cast %add3A_174 : vector<1024x512xf32> to vector<32x32x512xf32>
    %add3A_176 = arith.addf %reshape3A_142, %reshape3A_175 : vector<32x32x512xf32>
    %max3A_177 = arith.constant 0.000000e+00 : f32
    %max3A_178 = vector.broadcast %max3A_177 : f32 to vector<32x32x512xf32>
    %max3A_179 = arith.maximumf %add3A_176, %max3A_178 : vector<32x32x512xf32>
    %convert_element_type3A_180 = arith.truncf %max3A_179 : vector<32x32x512xf32> to vector<32x32x512xbf16>
    %jit3A_181 = arith.constant 0 : i32
    %convert_element_type3A_182 = arith.sitofp %jit3A_181 : i32 to bf16
    %pad3A_183 = vector.broadcast %convert_element_type3A_182 : bf16 to vector<3x32x512xbf16>
    %pad3A_184 = tpu.concatenate %pad3A_183, %convert_element_type3A_180 in 0 : vector<3x32x512xbf16>, vector<32x32x512xbf16> -> vector<35x32x512xbf16>
    %pad3A_185 = vector.broadcast %convert_element_type3A_182 : bf16 to vector<3x32x512xbf16>
    %pad3A_186 = tpu.concatenate %pad3A_184, %pad3A_185 in 0 : vector<35x32x512xbf16>, vector<3x32x512xbf16> -> vector<38x32x512xbf16>
    %slice3A_187 = vector.extract_strided_slice %pad3A_186 {offsets = [0, 0, 0], sizes = [32, 32, 512], strides = [1, 1, 1]} : vector<38x32x512xbf16> to vector<32x32x512xbf16>
    %reshape3A_188 = vector.shape_cast %slice3A_187 : vector<32x32x512xbf16> to vector<1024x512xbf16>
    %slice3A_189 = vector.extract_strided_slice %pad3A_186 {offsets = [3, 0, 0], sizes = [32, 32, 512], strides = [1, 1, 1]} : vector<38x32x512xbf16> to vector<32x32x512xbf16>
    %reshape3A_190 = vector.shape_cast %slice3A_189 : vector<32x32x512xbf16> to vector<1024x512xbf16>
    %slice3A_191 = vector.extract_strided_slice %pad3A_186 {offsets = [6, 0, 0], sizes = [32, 32, 512], strides = [1, 1, 1]} : vector<38x32x512xbf16> to vector<32x32x512xbf16>
    %reshape3A_192 = vector.shape_cast %slice3A_191 : vector<32x32x512xbf16> to vector<1024x512xbf16>
    %concatenate3A_193 = tpu.concatenate %reshape3A_188, %reshape3A_190, %reshape3A_192 in 1 : vector<1024x512xbf16>, vector<1024x512xbf16>, vector<1024x512xbf16> -> vector<1024x1536xbf16>
    %dot_general3A_194 = arith.constant dense<0.000000e+00> : vector<1024x512xf32>
    %dot_general3A_195 = tpu.matmul %concatenate3A_193, %get3A_29, %dot_general3A_194 {dimension_numbers = #tpu.dot_dimension_numbers<[1], [0], [0], [1], [0, 0, 1, 1], [], []>, transpose_lhs_hint = false} : vector<1024x1536xbf16>, vector<1536x512xbf16>, vector<1024x512xf32> -> vector<1024x512xf32>
    %add3A_196 = vector.broadcast %get3A_32 : vector<1x512xf32> to vector<1024x512xf32>
    %add3A_197 = arith.addf %dot_general3A_195, %add3A_196 : vector<1024x512xf32>
    %reshape3A_198 = vector.shape_cast %add3A_197 : vector<1024x512xf32> to vector<32x32x512xf32>
    %max3A_199 = arith.constant 0.000000e+00 : f32
    %max3A_200 = vector.broadcast %max3A_199 : f32 to vector<32x32x512xf32>
    %max3A_201 = arith.maximumf %reshape3A_198, %max3A_200 : vector<32x32x512xf32>
    %convert_element_type3A_202 = arith.truncf %max3A_201 : vector<32x32x512xf32> to vector<32x32x512xbf16>
    %slice3A_203 = vector.extract_strided_slice %convert_element_type3A_202 {offsets = [0, 0, 0], sizes = [32, 32, 512], strides = [1, 1, 1]} : vector<32x32x512xbf16> to vector<32x32x512xbf16>
    %reshape3A_204 = vector.shape_cast %slice3A_203 : vector<32x32x512xbf16> to vector<1024x512xbf16>
    %dot_general3A_205 = arith.constant dense<0.000000e+00> : vector<1024x512xf32>
    %dot_general3A_206 = tpu.matmul %reshape3A_204, %get3A_35, %dot_general3A_205 {dimension_numbers = #tpu.dot_dimension_numbers<[1], [0], [0], [1], [0, 0, 1, 1], [], []>, transpose_lhs_hint = false} : vector<1024x512xbf16>, vector<512x512xbf16>, vector<1024x512xf32> -> vector<1024x512xf32>
    %add3A_207 = vector.broadcast %get3A_38 : vector<1x512xf32> to vector<1024x512xf32>
    %add3A_208 = arith.addf %dot_general3A_206, %add3A_207 : vector<1024x512xf32>
    %reshape3A_209 = vector.shape_cast %add3A_208 : vector<1024x512xf32> to vector<32x32x512xf32>
    %add3A_210 = arith.addf %add3A_176, %reshape3A_209 : vector<32x32x512xf32>
    %max3A_211 = arith.constant 0.000000e+00 : f32
    %max3A_212 = vector.broadcast %max3A_211 : f32 to vector<32x32x512xf32>
    %max3A_213 = arith.maximumf %add3A_210, %max3A_212 : vector<32x32x512xf32>
    %convert_element_type3A_214 = arith.truncf %max3A_213 : vector<32x32x512xf32> to vector<32x32x512xbf16>
    %jit3A_215 = arith.constant 0 : i32
    %convert_element_type3A_216 = arith.sitofp %jit3A_215 : i32 to bf16
    %pad3A_217 = vector.broadcast %convert_element_type3A_216 : bf16 to vector<9x32x512xbf16>
    %pad3A_218 = tpu.concatenate %pad3A_217, %convert_element_type3A_214 in 0 : vector<9x32x512xbf16>, vector<32x32x512xbf16> -> vector<41x32x512xbf16>
    %pad3A_219 = vector.broadcast %convert_element_type3A_216 : bf16 to vector<9x32x512xbf16>
    %pad3A_220 = tpu.concatenate %pad3A_218, %pad3A_219 in 0 : vector<41x32x512xbf16>, vector<9x32x512xbf16> -> vector<50x32x512xbf16>
    %slice3A_221 = vector.extract_strided_slice %pad3A_220 {offsets = [0, 0, 0], sizes = [32, 32, 512], strides = [1, 1, 1]} : vector<50x32x512xbf16> to vector<32x32x512xbf16>
    %reshape3A_222 = vector.shape_cast %slice3A_221 : vector<32x32x512xbf16> to vector<1024x512xbf16>
    %slice3A_223 = vector.extract_strided_slice %pad3A_220 {offsets = [9, 0, 0], sizes = [32, 32, 512], strides = [1, 1, 1]} : vector<50x32x512xbf16> to vector<32x32x512xbf16>
    %reshape3A_224 = vector.shape_cast %slice3A_223 : vector<32x32x512xbf16> to vector<1024x512xbf16>
    %slice3A_225 = vector.extract_strided_slice %pad3A_220 {offsets = [18, 0, 0], sizes = [32, 32, 512], strides = [1, 1, 1]} : vector<50x32x512xbf16> to vector<32x32x512xbf16>
    %reshape3A_226 = vector.shape_cast %slice3A_225 : vector<32x32x512xbf16> to vector<1024x512xbf16>
    %concatenate3A_227 = tpu.concatenate %reshape3A_222, %reshape3A_224, %reshape3A_226 in 1 : vector<1024x512xbf16>, vector<1024x512xbf16>, vector<1024x512xbf16> -> vector<1024x1536xbf16>
    %dot_general3A_228 = arith.constant dense<0.000000e+00> : vector<1024x512xf32>
    %dot_general3A_229 = tpu.matmul %concatenate3A_227, %get3A_41, %dot_general3A_228 {dimension_numbers = #tpu.dot_dimension_numbers<[1], [0], [0], [1], [0, 0, 1, 1], [], []>, transpose_lhs_hint = false} : vector<1024x1536xbf16>, vector<1536x512xbf16>, vector<1024x512xf32> -> vector<1024x512xf32>
    %add3A_230 = vector.broadcast %get3A_44 : vector<1x512xf32> to vector<1024x512xf32>
    %add3A_231 = arith.addf %dot_general3A_229, %add3A_230 : vector<1024x512xf32>
    %reshape3A_232 = vector.shape_cast %add3A_231 : vector<1024x512xf32> to vector<32x32x512xf32>
    %max3A_233 = arith.constant 0.000000e+00 : f32
    %max3A_234 = vector.broadcast %max3A_233 : f32 to vector<32x32x512xf32>
    %max3A_235 = arith.maximumf %reshape3A_232, %max3A_234 : vector<32x32x512xf32>
    %convert_element_type3A_236 = arith.truncf %max3A_235 : vector<32x32x512xf32> to vector<32x32x512xbf16>
    %slice3A_237 = vector.extract_strided_slice %convert_element_type3A_236 {offsets = [0, 0, 0], sizes = [32, 32, 512], strides = [1, 1, 1]} : vector<32x32x512xbf16> to vector<32x32x512xbf16>
    %reshape3A_238 = vector.shape_cast %slice3A_237 : vector<32x32x512xbf16> to vector<1024x512xbf16>
    %dot_general3A_239 = arith.constant dense<0.000000e+00> : vector<1024x512xf32>
    %dot_general3A_240 = tpu.matmul %reshape3A_238, %get3A_47, %dot_general3A_239 {dimension_numbers = #tpu.dot_dimension_numbers<[1], [0], [0], [1], [0, 0, 1, 1], [], []>, transpose_lhs_hint = false} : vector<1024x512xbf16>, vector<512x512xbf16>, vector<1024x512xf32> -> vector<1024x512xf32>
    %add3A_241 = vector.broadcast %get3A_50 : vector<1x512xf32> to vector<1024x512xf32>
    %add3A_242 = arith.addf %dot_general3A_240, %add3A_241 : vector<1024x512xf32>
    %reshape3A_243 = vector.shape_cast %add3A_242 : vector<1024x512xf32> to vector<32x32x512xf32>
    %add3A_244 = arith.addf %add3A_210, %reshape3A_243 : vector<32x32x512xf32>
    %convert_element_type3A_245 = arith.truncf %add3A_244 : vector<32x32x512xf32> to vector<32x32x512xbf16>
    %jit3A_246 = arith.constant 0 : i32
    %convert_element_type3A_247 = arith.sitofp %jit3A_246 : i32 to bf16
    %pad3A_248 = vector.broadcast %convert_element_type3A_247 : bf16 to vector<1x32x512xbf16>
    %pad3A_249 = tpu.concatenate %pad3A_248, %convert_element_type3A_245 in 0 : vector<1x32x512xbf16>, vector<32x32x512xbf16> -> vector<33x32x512xbf16>
    %pad3A_250 = vector.broadcast %convert_element_type3A_247 : bf16 to vector<1x32x512xbf16>
    %pad3A_251 = tpu.concatenate %pad3A_249, %pad3A_250 in 0 : vector<33x32x512xbf16>, vector<1x32x512xbf16> -> vector<34x32x512xbf16>
    %reshape3A_252 = vector.shape_cast %pad3A_251 : vector<34x32x512xbf16> to vector<17x2x32x512xbf16>
    %slice3A_253 = vector.extract_strided_slice %reshape3A_252 {offsets = [0, 0, 0, 0], sizes = [16, 1, 32, 512], strides = [1, 1, 1, 1]} : vector<17x2x32x512xbf16> to vector<16x1x32x512xbf16>
    %squeeze3A_254 = vector.shape_cast %slice3A_253 : vector<16x1x32x512xbf16> to vector<16x32x512xbf16>
    %slice3A_255 = vector.extract_strided_slice %reshape3A_252 {offsets = [0, 1, 0, 0], sizes = [16, 1, 32, 512], strides = [1, 1, 1, 1]} : vector<17x2x32x512xbf16> to vector<16x1x32x512xbf16>
    %squeeze3A_256 = vector.shape_cast %slice3A_255 : vector<16x1x32x512xbf16> to vector<16x32x512xbf16>
    %slice3A_257 = vector.extract_strided_slice %reshape3A_252 {offsets = [1, 0, 0, 0], sizes = [16, 1, 32, 512], strides = [1, 1, 1, 1]} : vector<17x2x32x512xbf16> to vector<16x1x32x512xbf16>
    %squeeze3A_258 = vector.shape_cast %slice3A_257 : vector<16x1x32x512xbf16> to vector<16x32x512xbf16>
    %slice3A_259 = vector.extract_strided_slice %reshape3A_252 {offsets = [1, 1, 0, 0], sizes = [16, 1, 32, 512], strides = [1, 1, 1, 1]} : vector<17x2x32x512xbf16> to vector<16x1x32x512xbf16>
    %squeeze3A_260 = vector.shape_cast %slice3A_259 : vector<16x1x32x512xbf16> to vector<16x32x512xbf16>
    %reshape3A_261 = vector.shape_cast %squeeze3A_254 : vector<16x32x512xbf16> to vector<512x512xbf16>
    %reshape3A_262 = vector.shape_cast %squeeze3A_256 : vector<16x32x512xbf16> to vector<512x512xbf16>
    %reshape3A_263 = vector.shape_cast %squeeze3A_258 : vector<16x32x512xbf16> to vector<512x512xbf16>
    %reshape3A_264 = vector.shape_cast %squeeze3A_260 : vector<16x32x512xbf16> to vector<512x512xbf16>
    %concatenate3A_265 = tpu.concatenate %reshape3A_261, %reshape3A_262, %reshape3A_263, %reshape3A_264 in 1 : vector<512x512xbf16>, vector<512x512xbf16>, vector<512x512xbf16>, vector<512x512xbf16> -> vector<512x2048xbf16>
    %dot_general3A_266 = arith.constant dense<0.000000e+00> : vector<512x512xf32>
    %dot_general3A_267 = tpu.matmul %concatenate3A_265, %get3A_53, %dot_general3A_266 {dimension_numbers = #tpu.dot_dimension_numbers<[1], [0], [0], [1], [0, 0, 1, 1], [], []>, transpose_lhs_hint = false} : vector<512x2048xbf16>, vector<2048x512xbf16>, vector<512x512xf32> -> vector<512x512xf32>
    %add3A_268 = vector.broadcast %get3A_56 : vector<1x512xf32> to vector<512x512xf32>
    %add3A_269 = arith.addf %dot_general3A_267, %add3A_268 : vector<512x512xf32>
    %reshape3A_270 = vector.shape_cast %add3A_269 : vector<512x512xf32> to vector<16x32x512xf32>
    %max3A_271 = arith.constant 0.000000e+00 : f32
    %max3A_272 = vector.broadcast %max3A_271 : f32 to vector<16x32x512xf32>
    %max3A_273 = arith.maximumf %reshape3A_270, %max3A_272 : vector<16x32x512xf32>
    %convert_element_type3A_274 = arith.truncf %max3A_273 : vector<16x32x512xf32> to vector<16x32x512xbf16>
    %jit3A_275 = arith.constant 0 : i32
    %convert_element_type3A_276 = arith.sitofp %jit3A_275 : i32 to bf16
    %pad3A_277 = vector.broadcast %convert_element_type3A_276 : bf16 to vector<1x32x512xbf16>
    %pad3A_278 = tpu.concatenate %pad3A_277, %convert_element_type3A_274 in 0 : vector<1x32x512xbf16>, vector<16x32x512xbf16> -> vector<17x32x512xbf16>
    %pad3A_279 = vector.broadcast %convert_element_type3A_276 : bf16 to vector<1x32x512xbf16>
    %pad3A_280 = tpu.concatenate %pad3A_278, %pad3A_279 in 0 : vector<17x32x512xbf16>, vector<1x32x512xbf16> -> vector<18x32x512xbf16>
    %slice3A_281 = vector.extract_strided_slice %pad3A_280 {offsets = [0, 0, 0], sizes = [16, 32, 512], strides = [1, 1, 1]} : vector<18x32x512xbf16> to vector<16x32x512xbf16>
    %reshape3A_282 = vector.shape_cast %slice3A_281 : vector<16x32x512xbf16> to vector<512x512xbf16>
    %slice3A_283 = vector.extract_strided_slice %pad3A_280 {offsets = [1, 0, 0], sizes = [16, 32, 512], strides = [1, 1, 1]} : vector<18x32x512xbf16> to vector<16x32x512xbf16>
    %reshape3A_284 = vector.shape_cast %slice3A_283 : vector<16x32x512xbf16> to vector<512x512xbf16>
    %slice3A_285 = vector.extract_strided_slice %pad3A_280 {offsets = [2, 0, 0], sizes = [16, 32, 512], strides = [1, 1, 1]} : vector<18x32x512xbf16> to vector<16x32x512xbf16>
    %reshape3A_286 = vector.shape_cast %slice3A_285 : vector<16x32x512xbf16> to vector<512x512xbf16>
    %concatenate3A_287 = tpu.concatenate %reshape3A_282, %reshape3A_284, %reshape3A_286 in 1 : vector<512x512xbf16>, vector<512x512xbf16>, vector<512x512xbf16> -> vector<512x1536xbf16>
    %dot_general3A_288 = arith.constant dense<0.000000e+00> : vector<512x512xf32>
    %dot_general3A_289 = tpu.matmul %concatenate3A_287, %get3A_59, %dot_general3A_288 {dimension_numbers = #tpu.dot_dimension_numbers<[1], [0], [0], [1], [0, 0, 1, 1], [], []>, transpose_lhs_hint = false} : vector<512x1536xbf16>, vector<1536x512xbf16>, vector<512x512xf32> -> vector<512x512xf32>
    %add3A_290 = vector.broadcast %get3A_62 : vector<1x512xf32> to vector<512x512xf32>
    %add3A_291 = arith.addf %dot_general3A_289, %add3A_290 : vector<512x512xf32>
    %reshape3A_292 = vector.shape_cast %add3A_291 : vector<512x512xf32> to vector<16x32x512xf32>
    %max3A_293 = arith.constant 0.000000e+00 : f32
    %max3A_294 = vector.broadcast %max3A_293 : f32 to vector<16x32x512xf32>
    %max3A_295 = arith.maximumf %reshape3A_292, %max3A_294 : vector<16x32x512xf32>
    %convert_element_type3A_296 = arith.truncf %max3A_295 : vector<16x32x512xf32> to vector<16x32x512xbf16>
    %slice3A_297 = vector.extract_strided_slice %convert_element_type3A_296 {offsets = [0, 0, 0], sizes = [16, 32, 512], strides = [1, 1, 1]} : vector<16x32x512xbf16> to vector<16x32x512xbf16>
    %reshape3A_298 = vector.shape_cast %slice3A_297 : vector<16x32x512xbf16> to vector<512x512xbf16>
    %dot_general3A_299 = arith.constant dense<0.000000e+00> : vector<512x512xf32>
    %dot_general3A_300 = tpu.matmul %reshape3A_298, %get3A_65, %dot_general3A_299 {dimension_numbers = #tpu.dot_dimension_numbers<[1], [0], [0], [1], [0, 0, 1, 1], [], []>, transpose_lhs_hint = false} : vector<512x512xbf16>, vector<512x512xbf16>, vector<512x512xf32> -> vector<512x512xf32>
    %add3A_301 = vector.broadcast %get3A_68 : vector<1x512xf32> to vector<512x512xf32>
    %add3A_302 = arith.addf %dot_general3A_300, %add3A_301 : vector<512x512xf32>
    %reshape3A_303 = vector.shape_cast %add3A_302 : vector<512x512xf32> to vector<16x32x512xf32>
    %add3A_304 = arith.addf %reshape3A_270, %reshape3A_303 : vector<16x32x512xf32>
    %max3A_305 = arith.constant 0.000000e+00 : f32
    %max3A_306 = vector.broadcast %max3A_305 : f32 to vector<16x32x512xf32>
    %max3A_307 = arith.maximumf %add3A_304, %max3A_306 : vector<16x32x512xf32>
    %convert_element_type3A_308 = arith.truncf %max3A_307 : vector<16x32x512xf32> to vector<16x32x512xbf16>
    %jit3A_309 = arith.constant 0 : i32
    %convert_element_type3A_310 = arith.sitofp %jit3A_309 : i32 to bf16
    %pad3A_311 = vector.broadcast %convert_element_type3A_310 : bf16 to vector<3x32x512xbf16>
    %pad3A_312 = tpu.concatenate %pad3A_311, %convert_element_type3A_308 in 0 : vector<3x32x512xbf16>, vector<16x32x512xbf16> -> vector<19x32x512xbf16>
    %pad3A_313 = vector.broadcast %convert_element_type3A_310 : bf16 to vector<3x32x512xbf16>
    %pad3A_314 = tpu.concatenate %pad3A_312, %pad3A_313 in 0 : vector<19x32x512xbf16>, vector<3x32x512xbf16> -> vector<22x32x512xbf16>
    %slice3A_315 = vector.extract_strided_slice %pad3A_314 {offsets = [0, 0, 0], sizes = [16, 32, 512], strides = [1, 1, 1]} : vector<22x32x512xbf16> to vector<16x32x512xbf16>
    %reshape3A_316 = vector.shape_cast %slice3A_315 : vector<16x32x512xbf16> to vector<512x512xbf16>
    %slice3A_317 = vector.extract_strided_slice %pad3A_314 {offsets = [3, 0, 0], sizes = [16, 32, 512], strides = [1, 1, 1]} : vector<22x32x512xbf16> to vector<16x32x512xbf16>
    %reshape3A_318 = vector.shape_cast %slice3A_317 : vector<16x32x512xbf16> to vector<512x512xbf16>
    %slice3A_319 = vector.extract_strided_slice %pad3A_314 {offsets = [6, 0, 0], sizes = [16, 32, 512], strides = [1, 1, 1]} : vector<22x32x512xbf16> to vector<16x32x512xbf16>
    %reshape3A_320 = vector.shape_cast %slice3A_319 : vector<16x32x512xbf16> to vector<512x512xbf16>
    %concatenate3A_321 = tpu.concatenate %reshape3A_316, %reshape3A_318, %reshape3A_320 in 1 : vector<512x512xbf16>, vector<512x512xbf16>, vector<512x512xbf16> -> vector<512x1536xbf16>
    %dot_general3A_322 = arith.constant dense<0.000000e+00> : vector<512x512xf32>
    %dot_general3A_323 = tpu.matmul %concatenate3A_321, %get3A_71, %dot_general3A_322 {dimension_numbers = #tpu.dot_dimension_numbers<[1], [0], [0], [1], [0, 0, 1, 1], [], []>, transpose_lhs_hint = false} : vector<512x1536xbf16>, vector<1536x512xbf16>, vector<512x512xf32> -> vector<512x512xf32>
    %add3A_324 = vector.broadcast %get3A_74 : vector<1x512xf32> to vector<512x512xf32>
    %add3A_325 = arith.addf %dot_general3A_323, %add3A_324 : vector<512x512xf32>
    %reshape3A_326 = vector.shape_cast %add3A_325 : vector<512x512xf32> to vector<16x32x512xf32>
    %max3A_327 = arith.constant 0.000000e+00 : f32
    %max3A_328 = vector.broadcast %max3A_327 : f32 to vector<16x32x512xf32>
    %max3A_329 = arith.maximumf %reshape3A_326, %max3A_328 : vector<16x32x512xf32>
    %convert_element_type3A_330 = arith.truncf %max3A_329 : vector<16x32x512xf32> to vector<16x32x512xbf16>
    %slice3A_331 = vector.extract_strided_slice %convert_element_type3A_330 {offsets = [0, 0, 0], sizes = [16, 32, 512], strides = [1, 1, 1]} : vector<16x32x512xbf16> to vector<16x32x512xbf16>
    %reshape3A_332 = vector.shape_cast %slice3A_331 : vector<16x32x512xbf16> to vector<512x512xbf16>
    %dot_general3A_333 = arith.constant dense<0.000000e+00> : vector<512x512xf32>
    %dot_general3A_334 = tpu.matmul %reshape3A_332, %get3A_77, %dot_general3A_333 {dimension_numbers = #tpu.dot_dimension_numbers<[1], [0], [0], [1], [0, 0, 1, 1], [], []>, transpose_lhs_hint = false} : vector<512x512xbf16>, vector<512x512xbf16>, vector<512x512xf32> -> vector<512x512xf32>
    %add3A_335 = vector.broadcast %get3A_80 : vector<1x512xf32> to vector<512x512xf32>
    %add3A_336 = arith.addf %dot_general3A_334, %add3A_335 : vector<512x512xf32>
    %reshape3A_337 = vector.shape_cast %add3A_336 : vector<512x512xf32> to vector<16x32x512xf32>
    %add3A_338 = arith.addf %add3A_304, %reshape3A_337 : vector<16x32x512xf32>
    %max3A_339 = arith.constant 0.000000e+00 : f32
    %max3A_340 = vector.broadcast %max3A_339 : f32 to vector<16x32x512xf32>
    %max3A_341 = arith.maximumf %add3A_338, %max3A_340 : vector<16x32x512xf32>
    %convert_element_type3A_342 = arith.truncf %max3A_341 : vector<16x32x512xf32> to vector<16x32x512xbf16>
    %jit3A_343 = arith.constant 0 : i32
    %convert_element_type3A_344 = arith.sitofp %jit3A_343 : i32 to bf16
    %pad3A_345 = vector.broadcast %convert_element_type3A_344 : bf16 to vector<9x32x512xbf16>
    %pad3A_346 = tpu.concatenate %pad3A_345, %convert_element_type3A_342 in 0 : vector<9x32x512xbf16>, vector<16x32x512xbf16> -> vector<25x32x512xbf16>
    %pad3A_347 = vector.broadcast %convert_element_type3A_344 : bf16 to vector<9x32x512xbf16>
    %pad3A_348 = tpu.concatenate %pad3A_346, %pad3A_347 in 0 : vector<25x32x512xbf16>, vector<9x32x512xbf16> -> vector<34x32x512xbf16>
    %slice3A_349 = vector.extract_strided_slice %pad3A_348 {offsets = [0, 0, 0], sizes = [16, 32, 512], strides = [1, 1, 1]} : vector<34x32x512xbf16> to vector<16x32x512xbf16>
    %reshape3A_350 = vector.shape_cast %slice3A_349 : vector<16x32x512xbf16> to vector<512x512xbf16>
    %slice3A_351 = vector.extract_strided_slice %pad3A_348 {offsets = [9, 0, 0], sizes = [16, 32, 512], strides = [1, 1, 1]} : vector<34x32x512xbf16> to vector<16x32x512xbf16>
    %reshape3A_352 = vector.shape_cast %slice3A_351 : vector<16x32x512xbf16> to vector<512x512xbf16>
    %slice3A_353 = vector.extract_strided_slice %pad3A_348 {offsets = [18, 0, 0], sizes = [16, 32, 512], strides = [1, 1, 1]} : vector<34x32x512xbf16> to vector<16x32x512xbf16>
    %reshape3A_354 = vector.shape_cast %slice3A_353 : vector<16x32x512xbf16> to vector<512x512xbf16>
    %concatenate3A_355 = tpu.concatenate %reshape3A_350, %reshape3A_352, %reshape3A_354 in 1 : vector<512x512xbf16>, vector<512x512xbf16>, vector<512x512xbf16> -> vector<512x1536xbf16>
    %dot_general3A_356 = arith.constant dense<0.000000e+00> : vector<512x512xf32>
    %dot_general3A_357 = tpu.matmul %concatenate3A_355, %get3A_83, %dot_general3A_356 {dimension_numbers = #tpu.dot_dimension_numbers<[1], [0], [0], [1], [0, 0, 1, 1], [], []>, transpose_lhs_hint = false} : vector<512x1536xbf16>, vector<1536x512xbf16>, vector<512x512xf32> -> vector<512x512xf32>
    %add3A_358 = vector.broadcast %get3A_86 : vector<1x512xf32> to vector<512x512xf32>
    %add3A_359 = arith.addf %dot_general3A_357, %add3A_358 : vector<512x512xf32>
    %reshape3A_360 = vector.shape_cast %add3A_359 : vector<512x512xf32> to vector<16x32x512xf32>
    %max3A_361 = arith.constant 0.000000e+00 : f32
    %max3A_362 = vector.broadcast %max3A_361 : f32 to vector<16x32x512xf32>
    %max3A_363 = arith.maximumf %reshape3A_360, %max3A_362 : vector<16x32x512xf32>
    %convert_element_type3A_364 = arith.truncf %max3A_363 : vector<16x32x512xf32> to vector<16x32x512xbf16>
    %slice3A_365 = vector.extract_strided_slice %convert_element_type3A_364 {offsets = [0, 0, 0], sizes = [16, 32, 512], strides = [1, 1, 1]} : vector<16x32x512xbf16> to vector<16x32x512xbf16>
    %reshape3A_366 = vector.shape_cast %slice3A_365 : vector<16x32x512xbf16> to vector<512x512xbf16>
    %dot_general3A_367 = arith.constant dense<0.000000e+00> : vector<512x512xf32>
    %dot_general3A_368 = tpu.matmul %reshape3A_366, %get3A_89, %dot_general3A_367 {dimension_numbers = #tpu.dot_dimension_numbers<[1], [0], [0], [1], [0, 0, 1, 1], [], []>, transpose_lhs_hint = false} : vector<512x512xbf16>, vector<512x512xbf16>, vector<512x512xf32> -> vector<512x512xf32>
    %add3A_369 = vector.broadcast %get3A_92 : vector<1x512xf32> to vector<512x512xf32>
    %add3A_370 = arith.addf %dot_general3A_368, %add3A_369 : vector<512x512xf32>
    %reshape3A_371 = vector.shape_cast %add3A_370 : vector<512x512xf32> to vector<16x32x512xf32>
    %add3A_372 = arith.addf %add3A_338, %reshape3A_371 : vector<16x32x512xf32>
    %convert_element_type3A_373 = arith.truncf %add3A_372 : vector<16x32x512xf32> to vector<16x32x512xbf16>
    %jit3A_374 = arith.constant 0 : i32
    %convert_element_type3A_375 = arith.sitofp %jit3A_374 : i32 to bf16
    %pad3A_376 = vector.broadcast %convert_element_type3A_375 : bf16 to vector<1x32x512xbf16>
    %pad3A_377 = tpu.concatenate %pad3A_376, %convert_element_type3A_373 in 0 : vector<1x32x512xbf16>, vector<16x32x512xbf16> -> vector<17x32x512xbf16>
    %pad3A_378 = vector.broadcast %convert_element_type3A_375 : bf16 to vector<1x32x512xbf16>
    %pad3A_379 = tpu.concatenate %pad3A_377, %pad3A_378 in 0 : vector<17x32x512xbf16>, vector<1x32x512xbf16> -> vector<18x32x512xbf16>
    %slice3A_380 = vector.extract_strided_slice %pad3A_379 {offsets = [0, 0, 0], sizes = [16, 32, 512], strides = [1, 1, 1]} : vector<18x32x512xbf16> to vector<16x32x512xbf16>
    %reshape3A_381 = vector.shape_cast %slice3A_380 : vector<16x32x512xbf16> to vector<512x512xbf16>
    %slice3A_382 = vector.extract_strided_slice %pad3A_379 {offsets = [1, 0, 0], sizes = [16, 32, 512], strides = [1, 1, 1]} : vector<18x32x512xbf16> to vector<16x32x512xbf16>
    %reshape3A_383 = vector.shape_cast %slice3A_382 : vector<16x32x512xbf16> to vector<512x512xbf16>
    %slice3A_384 = vector.extract_strided_slice %pad3A_379 {offsets = [2, 0, 0], sizes = [16, 32, 512], strides = [1, 1, 1]} : vector<18x32x512xbf16> to vector<16x32x512xbf16>
    %reshape3A_385 = vector.shape_cast %slice3A_384 : vector<16x32x512xbf16> to vector<512x512xbf16>
    %concatenate3A_386 = tpu.concatenate %reshape3A_381, %reshape3A_383, %reshape3A_385 in 1 : vector<512x512xbf16>, vector<512x512xbf16>, vector<512x512xbf16> -> vector<512x1536xbf16>
    %dot_general3A_387 = arith.constant dense<0.000000e+00> : vector<512x256xf32>
    %dot_general3A_388 = tpu.matmul %concatenate3A_386, %get3A_95, %dot_general3A_387 {dimension_numbers = #tpu.dot_dimension_numbers<[1], [0], [0], [1], [0, 0, 1, 1], [], []>, transpose_lhs_hint = false} : vector<512x1536xbf16>, vector<1536x256xbf16>, vector<512x256xf32> -> vector<512x256xf32>
    %add3A_389 = vector.broadcast %get3A_98 : vector<1x256xf32> to vector<512x256xf32>
    %add3A_390 = arith.addf %dot_general3A_388, %add3A_389 : vector<512x256xf32>
    %reshape3A_391 = vector.shape_cast %add3A_390 : vector<512x256xf32> to vector<16x32x256xf32>
    %reshape3A_392 = vector.shape_cast %reshape3A_391 : vector<16x32x256xf32> to vector<512x256xf32>
    %swap3A = arith.constant 0 : index
    %swap3A_393 = arith.constant 0 : index
    %swap3A_394 = vector.load %arg35[%swap3A, %swap3A_393] : memref<512x256xf32, #tpu.memory_space<vmem>>, vector<512x256xf32>
    tpu.vector_store %arg35[%swap3A, %swap3A_393], %reshape3A_392 {strides = array<i32>} : memref<512x256xf32, #tpu.memory_space<vmem>>, vector<512x256xf32>,
    %mul3A = arith.mulf %reshape3A_392, %reshape3A_392 : vector<512x256xf32>
    %reduce_sum3A = arith.constant dense<0.000000e+00> : vector<512xf32>
    %reduce_sum3A_395 = vector.multi_reduction <add>, %mul3A, %reduce_sum3A [1] : vector<512x256xf32> to vector<512xf32>
    %broadcast_in_dim3A = vector.shape_cast %reduce_sum3A_395 : vector<512xf32> to vector<512x1xf32>
    %mul3A_396 = arith.mulf %get3A_101, %get3A_101 : vector<512x256xf32>
    %reduce_sum3A_397 = arith.constant dense<0.000000e+00> : vector<512xf32>
    %reduce_sum3A_398 = vector.multi_reduction <add>, %mul3A_396, %reduce_sum3A_397 [1] : vector<512x256xf32> to vector<512xf32>
    %convert_element_type3A_399 = arith.truncf %reshape3A_392 : vector<512x256xf32> to vector<512x256xbf16>
    %dot_general3A_400 = arith.constant dense<0.000000e+00> : vector<512x512xf32>
    %dot_general3A_401 = tpu.matmul %convert_element_type3A_399, %get3A_104, %dot_general3A_400 {dimension_numbers = #tpu.dot_dimension_numbers<[1], [0], [0], [1], [0, 0, 1, 1], [], []>, transpose_lhs_hint = false} : vector<512x256xbf16>, vector<256x512xbf16>, vector<512x512xf32> -> vector<512x512xf32>
    %mul3A_402 = arith.constant 2.000000e+00 : f32
    %mul3A_403 = vector.broadcast %mul3A_402 : f32 to vector<512x512xf32>
    %mul3A_404 = arith.mulf %mul3A_403, %dot_general3A_401 : vector<512x512xf32>
    %sub3A = vector.broadcast %broadcast_in_dim3A : vector<512x1xf32> to vector<512x512xf32>
    %sub3A_405 = arith.subf %sub3A, %mul3A_404 : vector<512x512xf32>
    %broadcast_in_dim3A_406 = vector.shape_cast %reduce_sum3A_398 : vector<512xf32> to vector<1x512xf32>
    %add3A_407 = vector.broadcast %broadcast_in_dim3A_406 : vector<1x512xf32> to vector<512x512xf32>
    %add3A_408 = arith.addf %sub3A_405, %add3A_407 : vector<512x512xf32>
    %reduce_min3A = arith.constant dense<0x7F800000> : vector<512xf32>
    %reduce_min3A_409 = vector.multi_reduction <minimumf>, %add3A_408, %reduce_min3A [1] : vector<512x512xf32> to vector<512xf32>
    %broadcast_in_dim3A_410 = vector.shape_cast %reduce_min3A_409 : vector<512xf32> to vector<512x1xf32>
    %iota3A = tpu.iota {dimensions = array<i32: 1>} : vector<512x512xi32>
    %eq3A = vector.broadcast %broadcast_in_dim3A_410 : vector<512x1xf32> to vector<512x512xf32>
    %eq3A_411 = arith.cmpf oeq, %add3A_408, %eq3A : vector<512x512xf32>
    %jit3A_412 = arith.constant 512 : i32
    %broadcast_in_dim3A_413 = vector.broadcast %jit3A_412 : i32 to vector<512x512xi32>
    %select_n3A = arith.select %eq3A_411, %iota3A, %broadcast_in_dim3A_413 : vector<512x512xi1>, vector<512x512xi32>
    %reduce_min3A_414 = arith.constant dense<2147483647> : vector<512xi32>
    %reduce_min3A_415 = vector.multi_reduction <minsi>, %select_n3A, %reduce_min3A_414 [1] : vector<512x512xi32> to vector<512xi32>
    %swap3A_416 = arith.constant 0 : index
    %swap3A_417 = vector.load %arg36[%swap3A_416] : memref<512xi32, #tpu.memory_space<vmem>>, vector<512xi32>
    tpu.vector_store %arg36[%swap3A_416], %reduce_min3A_415 {strides = array<i32>} : memref<512xi32, #tpu.memory_space<vmem>>, vector<512xi32>,
    return
  }
}

module attributes {stable_mosaic.version = 14 : i64} {
  func.func @_enc_body(%arg0: memref<64x32x160xf32, #tpu.memory_space<vmem>>, %arg1: memref<480x512xbf16, #tpu.memory_space<vmem>>, %arg2: memref<1x512xf32, #tpu.memory_space<vmem>>, %arg3: memref<2048x512xbf16, #tpu.memory_space<vmem>>, %arg4: memref<1x512xf32, #tpu.memory_space<vmem>>, %arg5: memref<1536x512xbf16, #tpu.memory_space<vmem>>, %arg6: memref<1x512xf32, #tpu.memory_space<vmem>>, %arg7: memref<512x512xbf16, #tpu.memory_space<vmem>>, %arg8: memref<1x512xf32, #tpu.memory_space<vmem>>, %arg9: memref<1536x512xbf16, #tpu.memory_space<vmem>>, %arg10: memref<1x512xf32, #tpu.memory_space<vmem>>, %arg11: memref<512x512xbf16, #tpu.memory_space<vmem>>, %arg12: memref<1x512xf32, #tpu.memory_space<vmem>>, %arg13: memref<1536x512xbf16, #tpu.memory_space<vmem>>, %arg14: memref<1x512xf32, #tpu.memory_space<vmem>>, %arg15: memref<512x512xbf16, #tpu.memory_space<vmem>>, %arg16: memref<1x512xf32, #tpu.memory_space<vmem>>, %arg17: memref<2048x512xbf16, #tpu.memory_space<vmem>>, %arg18: memref<1x512xf32, #tpu.memory_space<vmem>>, %arg19: memref<1536x512xbf16, #tpu.memory_space<vmem>>, %arg20: memref<1x512xf32, #tpu.memory_space<vmem>>, %arg21: memref<512x512xbf16, #tpu.memory_space<vmem>>, %arg22: memref<1x512xf32, #tpu.memory_space<vmem>>, %arg23: memref<1536x512xbf16, #tpu.memory_space<vmem>>, %arg24: memref<1x512xf32, #tpu.memory_space<vmem>>, %arg25: memref<512x512xbf16, #tpu.memory_space<vmem>>, %arg26: memref<1x512xf32, #tpu.memory_space<vmem>>, %arg27: memref<1536x512xbf16, #tpu.memory_space<vmem>>, %arg28: memref<1x512xf32, #tpu.memory_space<vmem>>, %arg29: memref<512x512xbf16, #tpu.memory_space<vmem>>, %arg30: memref<1x512xf32, #tpu.memory_space<vmem>>, %arg31: memref<1536x256xbf16, #tpu.memory_space<vmem>>, %arg32: memref<1x256xf32, #tpu.memory_space<vmem>>, %arg33: memref<512x256xf32, #tpu.memory_space<vmem>>, %arg34: memref<256x512xbf16, #tpu.memory_space<vmem>>, %arg35: memref<512x256xf32, #tpu.memory_space<vmem>>, %arg36: memref<512xi32, #tpu.memory_space<vmem>>) attributes {dimension_semantics = [], scalar_prefetch = 0 : i64, scratch_operands = 0 : i64, tpu.core_type = #tpu.core_type<tc>} {
    %get3A = arith.constant 0 : index
    %get3A_0 = arith.constant 0 : index
    %get3A_1 = arith.constant 0 : index
    %get3A_2 = vector.load %arg0[%get3A, %get3A_0, %get3A_1] : memref<64x32x160xf32, #tpu.memory_space<vmem>>, vector<64x32x160xf32>
    %get3A_3 = arith.constant 0 : index
    %get3A_4 = arith.constant 0 : index
    %get3A_5 = vector.load %arg1[%get3A_3, %get3A_4] : memref<480x512xbf16, #tpu.memory_space<vmem>>, vector<480x512xbf16>
    %get3A_6 = arith.constant 0 : index
    %get3A_7 = arith.constant 0 : index
    %get3A_8 = vector.load %arg2[%get3A_6, %get3A_7] : memref<1x512xf32, #tpu.memory_space<vmem>>, vector<1x512xf32>
    %get3A_9 = arith.constant 0 : index
    %get3A_10 = arith.constant 0 : index
    %get3A_11 = vector.load %arg3[%get3A_9, %get3A_10] : memref<2048x512xbf16, #tpu.memory_space<vmem>>, vector<2048x512xbf16>
    %get3A_12 = arith.constant 0 : index
    %get3A_13 = arith.constant 0 : index
    %get3A_14 = vector.load %arg4[%get3A_12, %get3A_13] : memref<1x512xf32, #tpu.memory_space<vmem>>, vector<1x512xf32>
    %get3A_15 = arith.constant 0 : index
    %get3A_16 = arith.constant 0 : index
    %get3A_17 = vector.load %arg5[%get3A_15, %get3A_16] : memref<1536x512xbf16, #tpu.memory_space<vmem>>, vector<1536x512xbf16>
    %get3A_18 = arith.constant 0 : index
    %get3A_19 = arith.constant 0 : index
    %get3A_20 = vector.load %arg6[%get3A_18, %get3A_19] : memref<1x512xf32, #tpu.memory_space<vmem>>, vector<1x512xf32>
    %get3A_21 = arith.constant 0 : index
    %get3A_22 = arith.constant 0 : index
    %get3A_23 = vector.load %arg7[%get3A_21, %get3A_22] : memref<512x512xbf16, #tpu.memory_space<vmem>>, vector<512x512xbf16>
    %get3A_24 = arith.constant 0 : index
    %get3A_25 = arith.constant 0 : index
    %get3A_26 = vector.load %arg8[%get3A_24, %get3A_25] : memref<1x512xf32, #tpu.memory_space<vmem>>, vector<1x512xf32>
    %get3A_27 = arith.constant 0 : index
    %get3A_28 = arith.constant 0 : index
    %get3A_29 = vector.load %arg9[%get3A_27, %get3A_28] : memref<1536x512xbf16, #tpu.memory_space<vmem>>, vector<1536x512xbf16>
    %get3A_30 = arith.constant 0 : index
    %get3A_31 = arith.constant 0 : index
    %get3A_32 = vector.load %arg10[%get3A_30, %get3A_31] : memref<1x512xf32, #tpu.memory_space<vmem>>, vector<1x512xf32>
    %get3A_33 = arith.constant 0 : index
    %get3A_34 = arith.constant 0 : index
    %get3A_35 = vector.load %arg11[%get3A_33, %get3A_34] : memref<512x512xbf16, #tpu.memory_space<vmem>>, vector<512x512xbf16>
    %get3A_36 = arith.constant 0 : index
    %get3A_37 = arith.constant 0 : index
    %get3A_38 = vector.load %arg12[%get3A_36, %get3A_37] : memref<1x512xf32, #tpu.memory_space<vmem>>, vector<1x512xf32>
    %get3A_39 = arith.constant 0 : index
    %get3A_40 = arith.constant 0 : index
    %get3A_41 = vector.load %arg13[%get3A_39, %get3A_40] : memref<1536x512xbf16, #tpu.memory_space<vmem>>, vector<1536x512xbf16>
    %get3A_42 = arith.constant 0 : index
    %get3A_43 = arith.constant 0 : index
    %get3A_44 = vector.load %arg14[%get3A_42, %get3A_43] : memref<1x512xf32, #tpu.memory_space<vmem>>, vector<1x512xf32>
    %get3A_45 = arith.constant 0 : index
    %get3A_46 = arith.constant 0 : index
    %get3A_47 = vector.load %arg15[%get3A_45, %get3A_46] : memref<512x512xbf16, #tpu.memory_space<vmem>>, vector<512x512xbf16>
    %get3A_48 = arith.constant 0 : index
    %get3A_49 = arith.constant 0 : index
    %get3A_50 = vector.load %arg16[%get3A_48, %get3A_49] : memref<1x512xf32, #tpu.memory_space<vmem>>, vector<1x512xf32>
    %get3A_51 = arith.constant 0 : index
    %get3A_52 = arith.constant 0 : index
    %get3A_53 = vector.load %arg17[%get3A_51, %get3A_52] : memref<2048x512xbf16, #tpu.memory_space<vmem>>, vector<2048x512xbf16>
    %get3A_54 = arith.constant 0 : index
    %get3A_55 = arith.constant 0 : index
    %get3A_56 = vector.load %arg18[%get3A_54, %get3A_55] : memref<1x512xf32, #tpu.memory_space<vmem>>, vector<1x512xf32>
    %get3A_57 = arith.constant 0 : index
    %get3A_58 = arith.constant 0 : index
    %get3A_59 = vector.load %arg19[%get3A_57, %get3A_58] : memref<1536x512xbf16, #tpu.memory_space<vmem>>, vector<1536x512xbf16>
    %get3A_60 = arith.constant 0 : index
    %get3A_61 = arith.constant 0 : index
    %get3A_62 = vector.load %arg20[%get3A_60, %get3A_61] : memref<1x512xf32, #tpu.memory_space<vmem>>, vector<1x512xf32>
    %get3A_63 = arith.constant 0 : index
    %get3A_64 = arith.constant 0 : index
    %get3A_65 = vector.load %arg21[%get3A_63, %get3A_64] : memref<512x512xbf16, #tpu.memory_space<vmem>>, vector<512x512xbf16>
    %get3A_66 = arith.constant 0 : index
    %get3A_67 = arith.constant 0 : index
    %get3A_68 = vector.load %arg22[%get3A_66, %get3A_67] : memref<1x512xf32, #tpu.memory_space<vmem>>, vector<1x512xf32>
    %get3A_69 = arith.constant 0 : index
    %get3A_70 = arith.constant 0 : index
    %get3A_71 = vector.load %arg23[%get3A_69, %get3A_70] : memref<1536x512xbf16, #tpu.memory_space<vmem>>, vector<1536x512xbf16>
    %get3A_72 = arith.constant 0 : index
    %get3A_73 = arith.constant 0 : index
    %get3A_74 = vector.load %arg24[%get3A_72, %get3A_73] : memref<1x512xf32, #tpu.memory_space<vmem>>, vector<1x512xf32>
    %get3A_75 = arith.constant 0 : index
    %get3A_76 = arith.constant 0 : index
    %get3A_77 = vector.load %arg25[%get3A_75, %get3A_76] : memref<512x512xbf16, #tpu.memory_space<vmem>>, vector<512x512xbf16>
    %get3A_78 = arith.constant 0 : index
    %get3A_79 = arith.constant 0 : index
    %get3A_80 = vector.load %arg26[%get3A_78, %get3A_79] : memref<1x512xf32, #tpu.memory_space<vmem>>, vector<1x512xf32>
    %get3A_81 = arith.constant 0 : index
    %get3A_82 = arith.constant 0 : index
    %get3A_83 = vector.load %arg27[%get3A_81, %get3A_82] : memref<1536x512xbf16, #tpu.memory_space<vmem>>, vector<1536x512xbf16>
    %get3A_84 = arith.constant 0 : index
    %get3A_85 = arith.constant 0 : index
    %get3A_86 = vector.load %arg28[%get3A_84, %get3A_85] : memref<1x512xf32, #tpu.memory_space<vmem>>, vector<1x512xf32>
    %get3A_87 = arith.constant 0 : index
    %get3A_88 = arith.constant 0 : index
    %get3A_89 = vector.load %arg29[%get3A_87, %get3A_88] : memref<512x512xbf16, #tpu.memory_space<vmem>>, vector<512x512xbf16>
    %get3A_90 = arith.constant 0 : index
    %get3A_91 = arith.constant 0 : index
    %get3A_92 = vector.load %arg30[%get3A_90, %get3A_91] : memref<1x512xf32, #tpu.memory_space<vmem>>, vector<1x512xf32>
    %get3A_93 = arith.constant 0 : index
    %get3A_94 = arith.constant 0 : index
    %get3A_95 = vector.load %arg31[%get3A_93, %get3A_94] : memref<1536x256xbf16, #tpu.memory_space<vmem>>, vector<1536x256xbf16>
    %get3A_96 = arith.constant 0 : index
    %get3A_97 = arith.constant 0 : index
    %get3A_98 = vector.load %arg32[%get3A_96, %get3A_97] : memref<1x256xf32, #tpu.memory_space<vmem>>, vector<1x256xf32>
    %get3A_99 = arith.constant 0 : index
    %get3A_100 = arith.constant 0 : index
    %get3A_101 = vector.load %arg33[%get3A_99, %get3A_100] : memref<512x256xf32, #tpu.memory_space<vmem>>, vector<512x256xf32>
    %get3A_102 = arith.constant 0 : index
    %get3A_103 = arith.constant 0 : index
    %get3A_104 = vector.load %arg34[%get3A_102, %get3A_103] : memref<256x512xbf16, #tpu.memory_space<vmem>>, vector<256x512xbf16>
    %convert_element_type3A = arith.truncf %get3A_2 : vector<64x32x160xf32> to vector<64x32x160xbf16>
    %jit3A = arith.constant 0 : i32
    %convert_element_type3A_105 = arith.sitofp %jit3A : i32 to bf16
    %pad3A = vector.broadcast %convert_element_type3A_105 : bf16 to vector<1x32x160xbf16>
    %pad3A_106 = tpu.concatenate %pad3A, %convert_element_type3A in 0 : vector<1x32x160xbf16>, vector<64x32x160xbf16> -> vector<65x32x160xbf16>
    %pad3A_107 = vector.broadcast %convert_element_type3A_105 : bf16 to vector<1x32x160xbf16>
    %pad3A_108 = tpu.concatenate %pad3A_106, %pad3A_107 in 0 : vector<65x32x160xbf16>, vector<1x32x160xbf16> -> vector<66x32x160xbf16>
    %slice3A = vector.extract_strided_slice %pad3A_108 {offsets = [0, 0, 0], sizes = [64, 32, 160], strides = [1, 1, 1]} : vector<66x32x160xbf16> to vector<64x32x160xbf16>
    %reshape3A = vector.shape_cast %slice3A : vector<64x32x160xbf16> to vector<2048x160xbf16>
    %slice3A_109 = vector.extract_strided_slice %pad3A_108 {offsets = [1, 0, 0], sizes = [64, 32, 160], strides = [1, 1, 1]} : vector<66x32x160xbf16> to vector<64x32x160xbf16>
    %reshape3A_110 = vector.shape_cast %slice3A_109 : vector<64x32x160xbf16> to vector<2048x160xbf16>
    %slice3A_111 = vector.extract_strided_slice %pad3A_108 {offsets = [2, 0, 0], sizes = [64, 32, 160], strides = [1, 1, 1]} : vector<66x32x160xbf16> to vector<64x32x160xbf16>
    %reshape3A_112 = vector.shape_cast %slice3A_111 : vector<64x32x160xbf16> to vector<2048x160xbf16>
    %concatenate3A = tpu.concatenate %reshape3A, %reshape3A_110, %reshape3A_112 in 1 : vector<2048x160xbf16>, vector<2048x160xbf16>, vector<2048x160xbf16> -> vector<2048x480xbf16>
    %dot_general3A = arith.constant dense<0.000000e+00> : vector<2048x512xf32>
    %dot_general3A_113 = tpu.matmul %concatenate3A, %get3A_5, %dot_general3A {dimension_numbers = #tpu.dot_dimension_numbers<[1], [0], [0], [1], [0, 0, 1, 1], [], []>, transpose_lhs_hint = false} : vector<2048x480xbf16>, vector<480x512xbf16>, vector<2048x512xf32> -> vector<2048x512xf32>
    %add3A = vector.broadcast %get3A_8 : vector<1x512xf32> to vector<2048x512xf32>
    %add3A_114 = arith.addf %dot_general3A_113, %add3A : vector<2048x512xf32>
    %reshape3A_115 = vector.shape_cast %add3A_114 : vector<2048x512xf32> to vector<64x32x512xf32>
    %max3A = arith.constant 0.000000e+00 : f32
    %max3A_116 = vector.broadcast %max3A : f32 to vector<64x32x512xf32>
    %max3A_117 = arith.maximumf %reshape3A_115, %max3A_116 : vector<64x32x512xf32>
    %convert_element_type3A_118 = arith.truncf %max3A_117 : vector<64x32x512xf32> to vector<64x32x512xbf16>
    %jit3A_119 = arith.constant 0 : i32
    %convert_element_type3A_120 = arith.sitofp %jit3A_119 : i32 to bf16
    %pad3A_121 = vector.broadcast %convert_element_type3A_120 : bf16 to vector<1x32x512xbf16>
    %pad3A_122 = tpu.concatenate %pad3A_121, %convert_element_type3A_118 in 0 : vector<1x32x512xbf16>, vector<64x32x512xbf16> -> vector<65x32x512xbf16>
    %pad3A_123 = vector.broadcast %convert_element_type3A_120 : bf16 to vector<1x32x512xbf16>
    %pad3A_124 = tpu.concatenate %pad3A_122, %pad3A_123 in 0 : vector<65x32x512xbf16>, vector<1x32x512xbf16> -> vector<66x32x512xbf16>
    %reshape3A_125 = vector.shape_cast %pad3A_124 : vector<66x32x512xbf16> to vector<33x2x32x512xbf16>
    %slice3A_126 = vector.extract_strided_slice %reshape3A_125 {offsets = [0, 0, 0, 0], sizes = [32, 1, 32, 512], strides = [1, 1, 1, 1]} : vector<33x2x32x512xbf16> to vector<32x1x32x512xbf16>
    %squeeze3A = vector.shape_cast %slice3A_126 : vector<32x1x32x512xbf16> to vector<32x32x512xbf16>
    %slice3A_127 = vector.extract_strided_slice %reshape3A_125 {offsets = [0, 1, 0, 0], sizes = [32, 1, 32, 512], strides = [1, 1, 1, 1]} : vector<33x2x32x512xbf16> to vector<32x1x32x512xbf16>
    %squeeze3A_128 = vector.shape_cast %slice3A_127 : vector<32x1x32x512xbf16> to vector<32x32x512xbf16>
    %slice3A_129 = vector.extract_strided_slice %reshape3A_125 {offsets = [1, 0, 0, 0], sizes = [32, 1, 32, 512], strides = [1, 1, 1, 1]} : vector<33x2x32x512xbf16> to vector<32x1x32x512xbf16>
    %squeeze3A_130 = vector.shape_cast %slice3A_129 : vector<32x1x32x512xbf16> to vector<32x32x512xbf16>
    %slice3A_131 = vector.extract_strided_slice %reshape3A_125 {offsets = [1, 1, 0, 0], sizes = [32, 1, 32, 512], strides = [1, 1, 1, 1]} : vector<33x2x32x512xbf16> to vector<32x1x32x512xbf16>
    %squeeze3A_132 = vector.shape_cast %slice3A_131 : vector<32x1x32x512xbf16> to vector<32x32x512xbf16>
    %reshape3A_133 = vector.shape_cast %squeeze3A : vector<32x32x512xbf16> to vector<1024x512xbf16>
    %reshape3A_134 = vector.shape_cast %squeeze3A_128 : vector<32x32x512xbf16> to vector<1024x512xbf16>
    %reshape3A_135 = vector.shape_cast %squeeze3A_130 : vector<32x32x512xbf16> to vector<1024x512xbf16>
    %reshape3A_136 = vector.shape_cast %squeeze3A_132 : vector<32x32x512xbf16> to vector<1024x512xbf16>
    %concatenate3A_137 = tpu.concatenate %reshape3A_133, %reshape3A_134, %reshape3A_135, %reshape3A_136 in 1 : vector<1024x512xbf16>, vector<1024x512xbf16>, vector<1024x512xbf16>, vector<1024x512xbf16> -> vector<1024x2048xbf16>
    %dot_general3A_138 = arith.constant dense<0.000000e+00> : vector<1024x512xf32>
    %dot_general3A_139 = tpu.matmul %concatenate3A_137, %get3A_11, %dot_general3A_138 {dimension_numbers = #tpu.dot_dimension_numbers<[1], [0], [0], [1], [0, 0, 1, 1], [], []>, transpose_lhs_hint = false} : vector<1024x2048xbf16>, vector<2048x512xbf16>, vector<1024x512xf32> -> vector<1024x512xf32>
    %add3A_140 = vector.broadcast %get3A_14 : vector<1x512xf32> to vector<1024x512xf32>
    %add3A_141 = arith.addf %dot_general3A_139, %add3A_140 : vector<1024x512xf32>
    %reshape3A_142 = vector.shape_cast %add3A_141 : vector<1024x512xf32> to vector<32x32x512xf32>
    %max3A_143 = arith.constant 0.000000e+00 : f32
    %max3A_144 = vector.broadcast %max3A_143 : f32 to vector<32x32x512xf32>
    %max3A_145 = arith.maximumf %reshape3A_142, %max3A_144 : vector<32x32x512xf32>
    %convert_element_type3A_146 = arith.truncf %max3A_145 : vector<32x32x512xf32> to vector<32x32x512xbf16>
    %jit3A_147 = arith.constant 0 : i32
    %convert_element_type3A_148 = arith.sitofp %jit3A_147 : i32 to bf16
    %pad3A_149 = vector.broadcast %convert_element_type3A_148 : bf16 to vector<1x32x512xbf16>
    %pad3A_150 = tpu.concatenate %pad3A_149, %convert_element_type3A_146 in 0 : vector<1x32x512xbf16>, vector<32x32x512xbf16> -> vector<33x32x512xbf16>
    %pad3A_151 = vector.broadcast %convert_element_type3A_148 : bf16 to vector<1x32x512xbf16>
    %pad3A_152 = tpu.concatenate %pad3A_150, %pad3A_151 in 0 : vector<33x32x512xbf16>, vector<1x32x512xbf16> -> vector<34x32x512xbf16>
    %slice3A_153 = vector.extract_strided_slice %pad3A_152 {offsets = [0, 0, 0], sizes = [32, 32, 512], strides = [1, 1, 1]} : vector<34x32x512xbf16> to vector<32x32x512xbf16>
    %reshape3A_154 = vector.shape_cast %slice3A_153 : vector<32x32x512xbf16> to vector<1024x512xbf16>
    %slice3A_155 = vector.extract_strided_slice %pad3A_152 {offsets = [1, 0, 0], sizes = [32, 32, 512], strides = [1, 1, 1]} : vector<34x32x512xbf16> to vector<32x32x512xbf16>
    %reshape3A_156 = vector.shape_cast %slice3A_155 : vector<32x32x512xbf16> to vector<1024x512xbf16>
    %slice3A_157 = vector.extract_strided_slice %pad3A_152 {offsets = [2, 0, 0], sizes = [32, 32, 512], strides = [1, 1, 1]} : vector<34x32x512xbf16> to vector<32x32x512xbf16>
    %reshape3A_158 = vector.shape_cast %slice3A_157 : vector<32x32x512xbf16> to vector<1024x512xbf16>
    %concatenate3A_159 = tpu.concatenate %reshape3A_154, %reshape3A_156, %reshape3A_158 in 1 : vector<1024x512xbf16>, vector<1024x512xbf16>, vector<1024x512xbf16> -> vector<1024x1536xbf16>
    %dot_general3A_160 = arith.constant dense<0.000000e+00> : vector<1024x512xf32>
    %dot_general3A_161 = tpu.matmul %concatenate3A_159, %get3A_17, %dot_general3A_160 {dimension_numbers = #tpu.dot_dimension_numbers<[1], [0], [0], [1], [0, 0, 1, 1], [], []>, transpose_lhs_hint = false} : vector<1024x1536xbf16>, vector<1536x512xbf16>, vector<1024x512xf32> -> vector<1024x512xf32>
    %add3A_162 = vector.broadcast %get3A_20 : vector<1x512xf32> to vector<1024x512xf32>
    %add3A_163 = arith.addf %dot_general3A_161, %add3A_162 : vector<1024x512xf32>
    %reshape3A_164 = vector.shape_cast %add3A_163 : vector<1024x512xf32> to vector<32x32x512xf32>
    %max3A_165 = arith.constant 0.000000e+00 : f32
    %max3A_166 = vector.broadcast %max3A_165 : f32 to vector<32x32x512xf32>
    %max3A_167 = arith.maximumf %reshape3A_164, %max3A_166 : vector<32x32x512xf32>
    %convert_element_type3A_168 = arith.truncf %max3A_167 : vector<32x32x512xf32> to vector<32x32x512xbf16>
    %slice3A_169 = vector.extract_strided_slice %convert_element_type3A_168 {offsets = [0, 0, 0], sizes = [32, 32, 512], strides = [1, 1, 1]} : vector<32x32x512xbf16> to vector<32x32x512xbf16>
    %reshape3A_170 = vector.shape_cast %slice3A_169 : vector<32x32x512xbf16> to vector<1024x512xbf16>
    %dot_general3A_171 = arith.constant dense<0.000000e+00> : vector<1024x512xf32>
    %dot_general3A_172 = tpu.matmul %reshape3A_170, %get3A_23, %dot_general3A_171 {dimension_numbers = #tpu.dot_dimension_numbers<[1], [0], [0], [1], [0, 0, 1, 1], [], []>, transpose_lhs_hint = false} : vector<1024x512xbf16>, vector<512x512xbf16>, vector<1024x512xf32> -> vector<1024x512xf32>
    %add3A_173 = vector.broadcast %get3A_26 : vector<1x512xf32> to vector<1024x512xf32>
    %add3A_174 = arith.addf %dot_general3A_172, %add3A_173 : vector<1024x512xf32>
    %reshape3A_175 = vector.shape_cast %add3A_174 : vector<1024x512xf32> to vector<32x32x512xf32>
    %add3A_176 = arith.addf %reshape3A_142, %reshape3A_175 : vector<32x32x512xf32>
    %max3A_177 = arith.constant 0.000000e+00 : f32
    %max3A_178 = vector.broadcast %max3A_177 : f32 to vector<32x32x512xf32>
    %max3A_179 = arith.maximumf %add3A_176, %max3A_178 : vector<32x32x512xf32>
    %convert_element_type3A_180 = arith.truncf %max3A_179 : vector<32x32x512xf32> to vector<32x32x512xbf16>
    %jit3A_181 = arith.constant 0 : i32
    %convert_element_type3A_182 = arith.sitofp %jit3A_181 : i32 to bf16
    %pad3A_183 = vector.broadcast %convert_element_type3A_182 : bf16 to vector<3x32x512xbf16>
    %pad3A_184 = tpu.concatenate %pad3A_183, %convert_element_type3A_180 in 0 : vector<3x32x512xbf16>, vector<32x32x512xbf16> -> vector<35x32x512xbf16>
    %pad3A_185 = vector.broadcast %convert_element_type3A_182 : bf16 to vector<3x32x512xbf16>
    %pad3A_186 = tpu.concatenate %pad3A_184, %pad3A_185 in 0 : vector<35x32x512xbf16>, vector<3x32x512xbf16> -> vector<38x32x512xbf16>
    %slice3A_187 = vector.extract_strided_slice %pad3A_186 {offsets = [0, 0, 0], sizes = [32, 32, 512], strides = [1, 1, 1]} : vector<38x32x512xbf16> to vector<32x32x512xbf16>
    %reshape3A_188 = vector.shape_cast %slice3A_187 : vector<32x32x512xbf16> to vector<1024x512xbf16>
    %slice3A_189 = vector.extract_strided_slice %pad3A_186 {offsets = [3, 0, 0], sizes = [32, 32, 512], strides = [1, 1, 1]} : vector<38x32x512xbf16> to vector<32x32x512xbf16>
    %reshape3A_190 = vector.shape_cast %slice3A_189 : vector<32x32x512xbf16> to vector<1024x512xbf16>
    %slice3A_191 = vector.extract_strided_slice %pad3A_186 {offsets = [6, 0, 0], sizes = [32, 32, 512], strides = [1, 1, 1]} : vector<38x32x512xbf16> to vector<32x32x512xbf16>
    %reshape3A_192 = vector.shape_cast %slice3A_191 : vector<32x32x512xbf16> to vector<1024x512xbf16>
    %concatenate3A_193 = tpu.concatenate %reshape3A_188, %reshape3A_190, %reshape3A_192 in 1 : vector<1024x512xbf16>, vector<1024x512xbf16>, vector<1024x512xbf16> -> vector<1024x1536xbf16>
    %dot_general3A_194 = arith.constant dense<0.000000e+00> : vector<1024x512xf32>
    %dot_general3A_195 = tpu.matmul %concatenate3A_193, %get3A_29, %dot_general3A_194 {dimension_numbers = #tpu.dot_dimension_numbers<[1], [0], [0], [1], [0, 0, 1, 1], [], []>, transpose_lhs_hint = false} : vector<1024x1536xbf16>, vector<1536x512xbf16>, vector<1024x512xf32> -> vector<1024x512xf32>
    %add3A_196 = vector.broadcast %get3A_32 : vector<1x512xf32> to vector<1024x512xf32>
    %add3A_197 = arith.addf %dot_general3A_195, %add3A_196 : vector<1024x512xf32>
    %reshape3A_198 = vector.shape_cast %add3A_197 : vector<1024x512xf32> to vector<32x32x512xf32>
    %max3A_199 = arith.constant 0.000000e+00 : f32
    %max3A_200 = vector.broadcast %max3A_199 : f32 to vector<32x32x512xf32>
    %max3A_201 = arith.maximumf %reshape3A_198, %max3A_200 : vector<32x32x512xf32>
    %convert_element_type3A_202 = arith.truncf %max3A_201 : vector<32x32x512xf32> to vector<32x32x512xbf16>
    %slice3A_203 = vector.extract_strided_slice %convert_element_type3A_202 {offsets = [0, 0, 0], sizes = [32, 32, 512], strides = [1, 1, 1]} : vector<32x32x512xbf16> to vector<32x32x512xbf16>
    %reshape3A_204 = vector.shape_cast %slice3A_203 : vector<32x32x512xbf16> to vector<1024x512xbf16>
    %dot_general3A_205 = arith.constant dense<0.000000e+00> : vector<1024x512xf32>
    %dot_general3A_206 = tpu.matmul %reshape3A_204, %get3A_35, %dot_general3A_205 {dimension_numbers = #tpu.dot_dimension_numbers<[1], [0], [0], [1], [0, 0, 1, 1], [], []>, transpose_lhs_hint = false} : vector<1024x512xbf16>, vector<512x512xbf16>, vector<1024x512xf32> -> vector<1024x512xf32>
    %add3A_207 = vector.broadcast %get3A_38 : vector<1x512xf32> to vector<1024x512xf32>
    %add3A_208 = arith.addf %dot_general3A_206, %add3A_207 : vector<1024x512xf32>
    %reshape3A_209 = vector.shape_cast %add3A_208 : vector<1024x512xf32> to vector<32x32x512xf32>
    %add3A_210 = arith.addf %add3A_176, %reshape3A_209 : vector<32x32x512xf32>
    %max3A_211 = arith.constant 0.000000e+00 : f32
    %max3A_212 = vector.broadcast %max3A_211 : f32 to vector<32x32x512xf32>
    %max3A_213 = arith.maximumf %add3A_210, %max3A_212 : vector<32x32x512xf32>
    %convert_element_type3A_214 = arith.truncf %max3A_213 : vector<32x32x512xf32> to vector<32x32x512xbf16>
    %jit3A_215 = arith.constant 0 : i32
    %convert_element_type3A_216 = arith.sitofp %jit3A_215 : i32 to bf16
    %pad3A_217 = vector.broadcast %convert_element_type3A_216 : bf16 to vector<9x32x512xbf16>
    %pad3A_218 = tpu.concatenate %pad3A_217, %convert_element_type3A_214 in 0 : vector<9x32x512xbf16>, vector<32x32x512xbf16> -> vector<41x32x512xbf16>
    %pad3A_219 = vector.broadcast %convert_element_type3A_216 : bf16 to vector<9x32x512xbf16>
    %pad3A_220 = tpu.concatenate %pad3A_218, %pad3A_219 in 0 : vector<41x32x512xbf16>, vector<9x32x512xbf16> -> vector<50x32x512xbf16>
    %slice3A_221 = vector.extract_strided_slice %pad3A_220 {offsets = [0, 0, 0], sizes = [32, 32, 512], strides = [1, 1, 1]} : vector<50x32x512xbf16> to vector<32x32x512xbf16>
    %reshape3A_222 = vector.shape_cast %slice3A_221 : vector<32x32x512xbf16> to vector<1024x512xbf16>
    %slice3A_223 = vector.extract_strided_slice %pad3A_220 {offsets = [9, 0, 0], sizes = [32, 32, 512], strides = [1, 1, 1]} : vector<50x32x512xbf16> to vector<32x32x512xbf16>
    %reshape3A_224 = vector.shape_cast %slice3A_223 : vector<32x32x512xbf16> to vector<1024x512xbf16>
    %slice3A_225 = vector.extract_strided_slice %pad3A_220 {offsets = [18, 0, 0], sizes = [32, 32, 512], strides = [1, 1, 1]} : vector<50x32x512xbf16> to vector<32x32x512xbf16>
    %reshape3A_226 = vector.shape_cast %slice3A_225 : vector<32x32x512xbf16> to vector<1024x512xbf16>
    %concatenate3A_227 = tpu.concatenate %reshape3A_222, %reshape3A_224, %reshape3A_226 in 1 : vector<1024x512xbf16>, vector<1024x512xbf16>, vector<1024x512xbf16> -> vector<1024x1536xbf16>
    %dot_general3A_228 = arith.constant dense<0.000000e+00> : vector<1024x512xf32>
    %dot_general3A_229 = tpu.matmul %concatenate3A_227, %get3A_41, %dot_general3A_228 {dimension_numbers = #tpu.dot_dimension_numbers<[1], [0], [0], [1], [0, 0, 1, 1], [], []>, transpose_lhs_hint = false} : vector<1024x1536xbf16>, vector<1536x512xbf16>, vector<1024x512xf32> -> vector<1024x512xf32>
    %add3A_230 = vector.broadcast %get3A_44 : vector<1x512xf32> to vector<1024x512xf32>
    %add3A_231 = arith.addf %dot_general3A_229, %add3A_230 : vector<1024x512xf32>
    %reshape3A_232 = vector.shape_cast %add3A_231 : vector<1024x512xf32> to vector<32x32x512xf32>
    %max3A_233 = arith.constant 0.000000e+00 : f32
    %max3A_234 = vector.broadcast %max3A_233 : f32 to vector<32x32x512xf32>
    %max3A_235 = arith.maximumf %reshape3A_232, %max3A_234 : vector<32x32x512xf32>
    %convert_element_type3A_236 = arith.truncf %max3A_235 : vector<32x32x512xf32> to vector<32x32x512xbf16>
    %slice3A_237 = vector.extract_strided_slice %convert_element_type3A_236 {offsets = [0, 0, 0], sizes = [32, 32, 512], strides = [1, 1, 1]} : vector<32x32x512xbf16> to vector<32x32x512xbf16>
    %reshape3A_238 = vector.shape_cast %slice3A_237 : vector<32x32x512xbf16> to vector<1024x512xbf16>
    %dot_general3A_239 = arith.constant dense<0.000000e+00> : vector<1024x512xf32>
    %dot_general3A_240 = tpu.matmul %reshape3A_238, %get3A_47, %dot_general3A_239 {dimension_numbers = #tpu.dot_dimension_numbers<[1], [0], [0], [1], [0, 0, 1, 1], [], []>, transpose_lhs_hint = false} : vector<1024x512xbf16>, vector<512x512xbf16>, vector<1024x512xf32> -> vector<1024x512xf32>
    %add3A_241 = vector.broadcast %get3A_50 : vector<1x512xf32> to vector<1024x512xf32>
    %add3A_242 = arith.addf %dot_general3A_240, %add3A_241 : vector<1024x512xf32>
    %reshape3A_243 = vector.shape_cast %add3A_242 : vector<1024x512xf32> to vector<32x32x512xf32>
    %add3A_244 = arith.addf %add3A_210, %reshape3A_243 : vector<32x32x512xf32>
    %convert_element_type3A_245 = arith.truncf %add3A_244 : vector<32x32x512xf32> to vector<32x32x512xbf16>
    %jit3A_246 = arith.constant 0 : i32
    %convert_element_type3A_247 = arith.sitofp %jit3A_246 : i32 to bf16
    %pad3A_248 = vector.broadcast %convert_element_type3A_247 : bf16 to vector<1x32x512xbf16>
    %pad3A_249 = tpu.concatenate %pad3A_248, %convert_element_type3A_245 in 0 : vector<1x32x512xbf16>, vector<32x32x512xbf16> -> vector<33x32x512xbf16>
    %pad3A_250 = vector.broadcast %convert_element_type3A_247 : bf16 to vector<1x32x512xbf16>
    %pad3A_251 = tpu.concatenate %pad3A_249, %pad3A_250 in 0 : vector<33x32x512xbf16>, vector<1x32x512xbf16> -> vector<34x32x512xbf16>
    %reshape3A_252 = vector.shape_cast %pad3A_251 : vector<34x32x512xbf16> to vector<17x2x32x512xbf16>
    %slice3A_253 = vector.extract_strided_slice %reshape3A_252 {offsets = [0, 0, 0, 0], sizes = [16, 1, 32, 512], strides = [1, 1, 1, 1]} : vector<17x2x32x512xbf16> to vector<16x1x32x512xbf16>
    %squeeze3A_254 = vector.shape_cast %slice3A_253 : vector<16x1x32x512xbf16> to vector<16x32x512xbf16>
    %slice3A_255 = vector.extract_strided_slice %reshape3A_252 {offsets = [0, 1, 0, 0], sizes = [16, 1, 32, 512], strides = [1, 1, 1, 1]} : vector<17x2x32x512xbf16> to vector<16x1x32x512xbf16>
    %squeeze3A_256 = vector.shape_cast %slice3A_255 : vector<16x1x32x512xbf16> to vector<16x32x512xbf16>
    %slice3A_257 = vector.extract_strided_slice %reshape3A_252 {offsets = [1, 0, 0, 0], sizes = [16, 1, 32, 512], strides = [1, 1, 1, 1]} : vector<17x2x32x512xbf16> to vector<16x1x32x512xbf16>
    %squeeze3A_258 = vector.shape_cast %slice3A_257 : vector<16x1x32x512xbf16> to vector<16x32x512xbf16>
    %slice3A_259 = vector.extract_strided_slice %reshape3A_252 {offsets = [1, 1, 0, 0], sizes = [16, 1, 32, 512], strides = [1, 1, 1, 1]} : vector<17x2x32x512xbf16> to vector<16x1x32x512xbf16>
    %squeeze3A_260 = vector.shape_cast %slice3A_259 : vector<16x1x32x512xbf16> to vector<16x32x512xbf16>
    %reshape3A_261 = vector.shape_cast %squeeze3A_254 : vector<16x32x512xbf16> to vector<512x512xbf16>
    %reshape3A_262 = vector.shape_cast %squeeze3A_256 : vector<16x32x512xbf16> to vector<512x512xbf16>
    %reshape3A_263 = vector.shape_cast %squeeze3A_258 : vector<16x32x512xbf16> to vector<512x512xbf16>
    %reshape3A_264 = vector.shape_cast %squeeze3A_260 : vector<16x32x512xbf16> to vector<512x512xbf16>
    %concatenate3A_265 = tpu.concatenate %reshape3A_261, %reshape3A_262, %reshape3A_263, %reshape3A_264 in 1 : vector<512x512xbf16>, vector<512x512xbf16>, vector<512x512xbf16>, vector<512x512xbf16> -> vector<512x2048xbf16>
    %dot_general3A_266 = arith.constant dense<0.000000e+00> : vector<512x512xf32>
    %dot_general3A_267 = tpu.matmul %concatenate3A_265, %get3A_53, %dot_general3A_266 {dimension_numbers = #tpu.dot_dimension_numbers<[1], [0], [0], [1], [0, 0, 1, 1], [], []>, transpose_lhs_hint = false} : vector<512x2048xbf16>, vector<2048x512xbf16>, vector<512x512xf32> -> vector<512x512xf32>
    %add3A_268 = vector.broadcast %get3A_56 : vector<1x512xf32> to vector<512x512xf32>
    %add3A_269 = arith.addf %dot_general3A_267, %add3A_268 : vector<512x512xf32>
    %reshape3A_270 = vector.shape_cast %add3A_269 : vector<512x512xf32> to vector<16x32x512xf32>
    %max3A_271 = arith.constant 0.000000e+00 : f32
    %max3A_272 = vector.broadcast %max3A_271 : f32 to vector<16x32x512xf32>
    %max3A_273 = arith.maximumf %reshape3A_270, %max3A_272 : vector<16x32x512xf32>
    %convert_element_type3A_274 = arith.truncf %max3A_273 : vector<16x32x512xf32> to vector<16x32x512xbf16>
    %jit3A_275 = arith.constant 0 : i32
    %convert_element_type3A_276 = arith.sitofp %jit3A_275 : i32 to bf16
    %pad3A_277 = vector.broadcast %convert_element_type3A_276 : bf16 to vector<1x32x512xbf16>
    %pad3A_278 = tpu.concatenate %pad3A_277, %convert_element_type3A_274 in 0 : vector<1x32x512xbf16>, vector<16x32x512xbf16> -> vector<17x32x512xbf16>
    %pad3A_279 = vector.broadcast %convert_element_type3A_276 : bf16 to vector<1x32x512xbf16>
    %pad3A_280 = tpu.concatenate %pad3A_278, %pad3A_279 in 0 : vector<17x32x512xbf16>, vector<1x32x512xbf16> -> vector<18x32x512xbf16>
    %slice3A_281 = vector.extract_strided_slice %pad3A_280 {offsets = [0, 0, 0], sizes = [16, 32, 512], strides = [1, 1, 1]} : vector<18x32x512xbf16> to vector<16x32x512xbf16>
    %reshape3A_282 = vector.shape_cast %slice3A_281 : vector<16x32x512xbf16> to vector<512x512xbf16>
    %slice3A_283 = vector.extract_strided_slice %pad3A_280 {offsets = [1, 0, 0], sizes = [16, 32, 512], strides = [1, 1, 1]} : vector<18x32x512xbf16> to vector<16x32x512xbf16>
    %reshape3A_284 = vector.shape_cast %slice3A_283 : vector<16x32x512xbf16> to vector<512x512xbf16>
    %slice3A_285 = vector.extract_strided_slice %pad3A_280 {offsets = [2, 0, 0], sizes = [16, 32, 512], strides = [1, 1, 1]} : vector<18x32x512xbf16> to vector<16x32x512xbf16>
    %reshape3A_286 = vector.shape_cast %slice3A_285 : vector<16x32x512xbf16> to vector<512x512xbf16>
    %concatenate3A_287 = tpu.concatenate %reshape3A_282, %reshape3A_284, %reshape3A_286 in 1 : vector<512x512xbf16>, vector<512x512xbf16>, vector<512x512xbf16> -> vector<512x1536xbf16>
    %dot_general3A_288 = arith.constant dense<0.000000e+00> : vector<512x512xf32>
    %dot_general3A_289 = tpu.matmul %concatenate3A_287, %get3A_59, %dot_general3A_288 {dimension_numbers = #tpu.dot_dimension_numbers<[1], [0], [0], [1], [0, 0, 1, 1], [], []>, transpose_lhs_hint = false} : vector<512x1536xbf16>, vector<1536x512xbf16>, vector<512x512xf32> -> vector<512x512xf32>
    %add3A_290 = vector.broadcast %get3A_62 : vector<1x512xf32> to vector<512x512xf32>
    %add3A_291 = arith.addf %dot_general3A_289, %add3A_290 : vector<512x512xf32>
    %reshape3A_292 = vector.shape_cast %add3A_291 : vector<512x512xf32> to vector<16x32x512xf32>
    %max3A_293 = arith.constant 0.000000e+00 : f32
    %max3A_294 = vector.broadcast %max3A_293 : f32 to vector<16x32x512xf32>
    %max3A_295 = arith.maximumf %reshape3A_292, %max3A_294 : vector<16x32x512xf32>
    %convert_element_type3A_296 = arith.truncf %max3A_295 : vector<16x32x512xf32> to vector<16x32x512xbf16>
    %slice3A_297 = vector.extract_strided_slice %convert_element_type3A_296 {offsets = [0, 0, 0], sizes = [16, 32, 512], strides = [1, 1, 1]} : vector<16x32x512xbf16> to vector<16x32x512xbf16>
    %reshape3A_298 = vector.shape_cast %slice3A_297 : vector<16x32x512xbf16> to vector<512x512xbf16>
    %dot_general3A_299 = arith.constant dense<0.000000e+00> : vector<512x512xf32>
    %dot_general3A_300 = tpu.matmul %reshape3A_298, %get3A_65, %dot_general3A_299 {dimension_numbers = #tpu.dot_dimension_numbers<[1], [0], [0], [1], [0, 0, 1, 1], [], []>, transpose_lhs_hint = false} : vector<512x512xbf16>, vector<512x512xbf16>, vector<512x512xf32> -> vector<512x512xf32>
    %add3A_301 = vector.broadcast %get3A_68 : vector<1x512xf32> to vector<512x512xf32>
    %add3A_302 = arith.addf %dot_general3A_300, %add3A_301 : vector<512x512xf32>
    %reshape3A_303 = vector.shape_cast %add3A_302 : vector<512x512xf32> to vector<16x32x512xf32>
    %add3A_304 = arith.addf %reshape3A_270, %reshape3A_303 : vector<16x32x512xf32>
    %max3A_305 = arith.constant 0.000000e+00 : f32
    %max3A_306 = vector.broadcast %max3A_305 : f32 to vector<16x32x512xf32>
    %max3A_307 = arith.maximumf %add3A_304, %max3A_306 : vector<16x32x512xf32>
    %convert_element_type3A_308 = arith.truncf %max3A_307 : vector<16x32x512xf32> to vector<16x32x512xbf16>
    %jit3A_309 = arith.constant 0 : i32
    %convert_element_type3A_310 = arith.sitofp %jit3A_309 : i32 to bf16
    %pad3A_311 = vector.broadcast %convert_element_type3A_310 : bf16 to vector<3x32x512xbf16>
    %pad3A_312 = tpu.concatenate %pad3A_311, %convert_element_type3A_308 in 0 : vector<3x32x512xbf16>, vector<16x32x512xbf16> -> vector<19x32x512xbf16>
    %pad3A_313 = vector.broadcast %convert_element_type3A_310 : bf16 to vector<3x32x512xbf16>
    %pad3A_314 = tpu.concatenate %pad3A_312, %pad3A_313 in 0 : vector<19x32x512xbf16>, vector<3x32x512xbf16> -> vector<22x32x512xbf16>
    %slice3A_315 = vector.extract_strided_slice %pad3A_314 {offsets = [0, 0, 0], sizes = [16, 32, 512], strides = [1, 1, 1]} : vector<22x32x512xbf16> to vector<16x32x512xbf16>
    %reshape3A_316 = vector.shape_cast %slice3A_315 : vector<16x32x512xbf16> to vector<512x512xbf16>
    %slice3A_317 = vector.extract_strided_slice %pad3A_314 {offsets = [3, 0, 0], sizes = [16, 32, 512], strides = [1, 1, 1]} : vector<22x32x512xbf16> to vector<16x32x512xbf16>
    %reshape3A_318 = vector.shape_cast %slice3A_317 : vector<16x32x512xbf16> to vector<512x512xbf16>
    %slice3A_319 = vector.extract_strided_slice %pad3A_314 {offsets = [6, 0, 0], sizes = [16, 32, 512], strides = [1, 1, 1]} : vector<22x32x512xbf16> to vector<16x32x512xbf16>
    %reshape3A_320 = vector.shape_cast %slice3A_319 : vector<16x32x512xbf16> to vector<512x512xbf16>
    %concatenate3A_321 = tpu.concatenate %reshape3A_316, %reshape3A_318, %reshape3A_320 in 1 : vector<512x512xbf16>, vector<512x512xbf16>, vector<512x512xbf16> -> vector<512x1536xbf16>
    %dot_general3A_322 = arith.constant dense<0.000000e+00> : vector<512x512xf32>
    %dot_general3A_323 = tpu.matmul %concatenate3A_321, %get3A_71, %dot_general3A_322 {dimension_numbers = #tpu.dot_dimension_numbers<[1], [0], [0], [1], [0, 0, 1, 1], [], []>, transpose_lhs_hint = false} : vector<512x1536xbf16>, vector<1536x512xbf16>, vector<512x512xf32> -> vector<512x512xf32>
    %add3A_324 = vector.broadcast %get3A_74 : vector<1x512xf32> to vector<512x512xf32>
    %add3A_325 = arith.addf %dot_general3A_323, %add3A_324 : vector<512x512xf32>
    %reshape3A_326 = vector.shape_cast %add3A_325 : vector<512x512xf32> to vector<16x32x512xf32>
    %max3A_327 = arith.constant 0.000000e+00 : f32
    %max3A_328 = vector.broadcast %max3A_327 : f32 to vector<16x32x512xf32>
    %max3A_329 = arith.maximumf %reshape3A_326, %max3A_328 : vector<16x32x512xf32>
    %convert_element_type3A_330 = arith.truncf %max3A_329 : vector<16x32x512xf32> to vector<16x32x512xbf16>
    %slice3A_331 = vector.extract_strided_slice %convert_element_type3A_330 {offsets = [0, 0, 0], sizes = [16, 32, 512], strides = [1, 1, 1]} : vector<16x32x512xbf16> to vector<16x32x512xbf16>
    %reshape3A_332 = vector.shape_cast %slice3A_331 : vector<16x32x512xbf16> to vector<512x512xbf16>
    %dot_general3A_333 = arith.constant dense<0.000000e+00> : vector<512x512xf32>
    %dot_general3A_334 = tpu.matmul %reshape3A_332, %get3A_77, %dot_general3A_333 {dimension_numbers = #tpu.dot_dimension_numbers<[1], [0], [0], [1], [0, 0, 1, 1], [], []>, transpose_lhs_hint = false} : vector<512x512xbf16>, vector<512x512xbf16>, vector<512x512xf32> -> vector<512x512xf32>
    %add3A_335 = vector.broadcast %get3A_80 : vector<1x512xf32> to vector<512x512xf32>
    %add3A_336 = arith.addf %dot_general3A_334, %add3A_335 : vector<512x512xf32>
    %reshape3A_337 = vector.shape_cast %add3A_336 : vector<512x512xf32> to vector<16x32x512xf32>
    %add3A_338 = arith.addf %add3A_304, %reshape3A_337 : vector<16x32x512xf32>
    %max3A_339 = arith.constant 0.000000e+00 : f32
    %max3A_340 = vector.broadcast %max3A_339 : f32 to vector<16x32x512xf32>
    %max3A_341 = arith.maximumf %add3A_338, %max3A_340 : vector<16x32x512xf32>
    %convert_element_type3A_342 = arith.truncf %max3A_341 : vector<16x32x512xf32> to vector<16x32x512xbf16>
    %jit3A_343 = arith.constant 0 : i32
    %convert_element_type3A_344 = arith.sitofp %jit3A_343 : i32 to bf16
    %pad3A_345 = vector.broadcast %convert_element_type3A_344 : bf16 to vector<9x32x512xbf16>
    %pad3A_346 = tpu.concatenate %pad3A_345, %convert_element_type3A_342 in 0 : vector<9x32x512xbf16>, vector<16x32x512xbf16> -> vector<25x32x512xbf16>
    %pad3A_347 = vector.broadcast %convert_element_type3A_344 : bf16 to vector<9x32x512xbf16>
    %pad3A_348 = tpu.concatenate %pad3A_346, %pad3A_347 in 0 : vector<25x32x512xbf16>, vector<9x32x512xbf16> -> vector<34x32x512xbf16>
    %slice3A_349 = vector.extract_strided_slice %pad3A_348 {offsets = [0, 0, 0], sizes = [16, 32, 512], strides = [1, 1, 1]} : vector<34x32x512xbf16> to vector<16x32x512xbf16>
    %reshape3A_350 = vector.shape_cast %slice3A_349 : vector<16x32x512xbf16> to vector<512x512xbf16>
    %slice3A_351 = vector.extract_strided_slice %pad3A_348 {offsets = [9, 0, 0], sizes = [16, 32, 512], strides = [1, 1, 1]} : vector<34x32x512xbf16> to vector<16x32x512xbf16>
    %reshape3A_352 = vector.shape_cast %slice3A_351 : vector<16x32x512xbf16> to vector<512x512xbf16>
    %slice3A_353 = vector.extract_strided_slice %pad3A_348 {offsets = [18, 0, 0], sizes = [16, 32, 512], strides = [1, 1, 1]} : vector<34x32x512xbf16> to vector<16x32x512xbf16>
    %reshape3A_354 = vector.shape_cast %slice3A_353 : vector<16x32x512xbf16> to vector<512x512xbf16>
    %concatenate3A_355 = tpu.concatenate %reshape3A_350, %reshape3A_352, %reshape3A_354 in 1 : vector<512x512xbf16>, vector<512x512xbf16>, vector<512x512xbf16> -> vector<512x1536xbf16>
    %dot_general3A_356 = arith.constant dense<0.000000e+00> : vector<512x512xf32>
    %dot_general3A_357 = tpu.matmul %concatenate3A_355, %get3A_83, %dot_general3A_356 {dimension_numbers = #tpu.dot_dimension_numbers<[1], [0], [0], [1], [0, 0, 1, 1], [], []>, transpose_lhs_hint = false} : vector<512x1536xbf16>, vector<1536x512xbf16>, vector<512x512xf32> -> vector<512x512xf32>
    %add3A_358 = vector.broadcast %get3A_86 : vector<1x512xf32> to vector<512x512xf32>
    %add3A_359 = arith.addf %dot_general3A_357, %add3A_358 : vector<512x512xf32>
    %reshape3A_360 = vector.shape_cast %add3A_359 : vector<512x512xf32> to vector<16x32x512xf32>
    %max3A_361 = arith.constant 0.000000e+00 : f32
    %max3A_362 = vector.broadcast %max3A_361 : f32 to vector<16x32x512xf32>
    %max3A_363 = arith.maximumf %reshape3A_360, %max3A_362 : vector<16x32x512xf32>
    %convert_element_type3A_364 = arith.truncf %max3A_363 : vector<16x32x512xf32> to vector<16x32x512xbf16>
    %slice3A_365 = vector.extract_strided_slice %convert_element_type3A_364 {offsets = [0, 0, 0], sizes = [16, 32, 512], strides = [1, 1, 1]} : vector<16x32x512xbf16> to vector<16x32x512xbf16>
    %reshape3A_366 = vector.shape_cast %slice3A_365 : vector<16x32x512xbf16> to vector<512x512xbf16>
    %dot_general3A_367 = arith.constant dense<0.000000e+00> : vector<512x512xf32>
    %dot_general3A_368 = tpu.matmul %reshape3A_366, %get3A_89, %dot_general3A_367 {dimension_numbers = #tpu.dot_dimension_numbers<[1], [0], [0], [1], [0, 0, 1, 1], [], []>, transpose_lhs_hint = false} : vector<512x512xbf16>, vector<512x512xbf16>, vector<512x512xf32> -> vector<512x512xf32>
    %add3A_369 = vector.broadcast %get3A_92 : vector<1x512xf32> to vector<512x512xf32>
    %add3A_370 = arith.addf %dot_general3A_368, %add3A_369 : vector<512x512xf32>
    %reshape3A_371 = vector.shape_cast %add3A_370 : vector<512x512xf32> to vector<16x32x512xf32>
    %add3A_372 = arith.addf %add3A_338, %reshape3A_371 : vector<16x32x512xf32>
    %convert_element_type3A_373 = arith.truncf %add3A_372 : vector<16x32x512xf32> to vector<16x32x512xbf16>
    %jit3A_374 = arith.constant 0 : i32
    %convert_element_type3A_375 = arith.sitofp %jit3A_374 : i32 to bf16
    %pad3A_376 = vector.broadcast %convert_element_type3A_375 : bf16 to vector<1x32x512xbf16>
    %pad3A_377 = tpu.concatenate %pad3A_376, %convert_element_type3A_373 in 0 : vector<1x32x512xbf16>, vector<16x32x512xbf16> -> vector<17x32x512xbf16>
    %pad3A_378 = vector.broadcast %convert_element_type3A_375 : bf16 to vector<1x32x512xbf16>
    %pad3A_379 = tpu.concatenate %pad3A_377, %pad3A_378 in 0 : vector<17x32x512xbf16>, vector<1x32x512xbf16> -> vector<18x32x512xbf16>
    %slice3A_380 = vector.extract_strided_slice %pad3A_379 {offsets = [0, 0, 0], sizes = [16, 32, 512], strides = [1, 1, 1]} : vector<18x32x512xbf16> to vector<16x32x512xbf16>
    %reshape3A_381 = vector.shape_cast %slice3A_380 : vector<16x32x512xbf16> to vector<512x512xbf16>
    %slice3A_382 = vector.extract_strided_slice %pad3A_379 {offsets = [1, 0, 0], sizes = [16, 32, 512], strides = [1, 1, 1]} : vector<18x32x512xbf16> to vector<16x32x512xbf16>
    %reshape3A_383 = vector.shape_cast %slice3A_382 : vector<16x32x512xbf16> to vector<512x512xbf16>
    %slice3A_384 = vector.extract_strided_slice %pad3A_379 {offsets = [2, 0, 0], sizes = [16, 32, 512], strides = [1, 1, 1]} : vector<18x32x512xbf16> to vector<16x32x512xbf16>
    %reshape3A_385 = vector.shape_cast %slice3A_384 : vector<16x32x512xbf16> to vector<512x512xbf16>
    %concatenate3A_386 = tpu.concatenate %reshape3A_381, %reshape3A_383, %reshape3A_385 in 1 : vector<512x512xbf16>, vector<512x512xbf16>, vector<512x512xbf16> -> vector<512x1536xbf16>
    %dot_general3A_387 = arith.constant dense<0.000000e+00> : vector<512x256xf32>
    %dot_general3A_388 = tpu.matmul %concatenate3A_386, %get3A_95, %dot_general3A_387 {dimension_numbers = #tpu.dot_dimension_numbers<[1], [0], [0], [1], [0, 0, 1, 1], [], []>, transpose_lhs_hint = false} : vector<512x1536xbf16>, vector<1536x256xbf16>, vector<512x256xf32> -> vector<512x256xf32>
    %add3A_389 = vector.broadcast %get3A_98 : vector<1x256xf32> to vector<512x256xf32>
    %add3A_390 = arith.addf %dot_general3A_388, %add3A_389 : vector<512x256xf32>
    %reshape3A_391 = vector.shape_cast %add3A_390 : vector<512x256xf32> to vector<16x32x256xf32>
    %reshape3A_392 = vector.shape_cast %reshape3A_391 : vector<16x32x256xf32> to vector<512x256xf32>
    %swap3A = arith.constant 0 : index
    %swap3A_393 = arith.constant 0 : index
    %swap3A_394 = vector.load %arg35[%swap3A, %swap3A_393] : memref<512x256xf32, #tpu.memory_space<vmem>>, vector<512x256xf32>
    tpu.vector_store %arg35[%swap3A, %swap3A_393], %reshape3A_392 {strides = array<i32>} : memref<512x256xf32, #tpu.memory_space<vmem>>, vector<512x256xf32>,
    %mul3A = arith.mulf %reshape3A_392, %reshape3A_392 : vector<512x256xf32>
    %reduce_sum3A = arith.constant dense<0.000000e+00> : vector<512xf32>
    %reduce_sum3A_395 = vector.multi_reduction <add>, %mul3A, %reduce_sum3A [1] : vector<512x256xf32> to vector<512xf32>
    %broadcast_in_dim3A = vector.shape_cast %reduce_sum3A_395 : vector<512xf32> to vector<512x1xf32>
    %mul3A_396 = arith.mulf %get3A_101, %get3A_101 : vector<512x256xf32>
    %reduce_sum3A_397 = arith.constant dense<0.000000e+00> : vector<512xf32>
    %reduce_sum3A_398 = vector.multi_reduction <add>, %mul3A_396, %reduce_sum3A_397 [1] : vector<512x256xf32> to vector<512xf32>
    %convert_element_type3A_399 = arith.truncf %reshape3A_392 : vector<512x256xf32> to vector<512x256xbf16>
    %dot_general3A_400 = arith.constant dense<0.000000e+00> : vector<512x512xf32>
    %dot_general3A_401 = tpu.matmul %convert_element_type3A_399, %get3A_104, %dot_general3A_400 {dimension_numbers = #tpu.dot_dimension_numbers<[1], [0], [0], [1], [0, 0, 1, 1], [], []>, transpose_lhs_hint = false} : vector<512x256xbf16>, vector<256x512xbf16>, vector<512x512xf32> -> vector<512x512xf32>
    %mul3A_402 = arith.constant 2.000000e+00 : f32
    %mul3A_403 = vector.broadcast %mul3A_402 : f32 to vector<512x512xf32>
    %mul3A_404 = arith.mulf %mul3A_403, %dot_general3A_401 : vector<512x512xf32>
    %sub3A = vector.broadcast %broadcast_in_dim3A : vector<512x1xf32> to vector<512x512xf32>
    %sub3A_405 = arith.subf %sub3A, %mul3A_404 : vector<512x512xf32>
    %broadcast_in_dim3A_406 = vector.shape_cast %reduce_sum3A_398 : vector<512xf32> to vector<1x512xf32>
    %add3A_407 = vector.broadcast %broadcast_in_dim3A_406 : vector<1x512xf32> to vector<512x512xf32>
    %add3A_408 = arith.addf %sub3A_405, %add3A_407 : vector<512x512xf32>
    %reduce_min3A = arith.constant dense<0x7F800000> : vector<512xf32>
    %reduce_min3A_409 = vector.multi_reduction <minimumf>, %add3A_408, %reduce_min3A [1] : vector<512x512xf32> to vector<512xf32>
    %broadcast_in_dim3A_410 = vector.shape_cast %reduce_min3A_409 : vector<512xf32> to vector<512x1xf32>
    %iota3A = tpu.iota {dimensions = array<i32: 1>} : vector<512x512xi32>
    %eq3A = vector.broadcast %broadcast_in_dim3A_410 : vector<512x1xf32> to vector<512x512xf32>
    %eq3A_411 = arith.cmpf oeq, %add3A_408, %eq3A : vector<512x512xf32>
    %jit3A_412 = arith.constant 512 : i32
    %broadcast_in_dim3A_413 = vector.broadcast %jit3A_412 : i32 to vector<512x512xi32>
    %select_n3A = arith.select %eq3A_411, %iota3A, %broadcast_in_dim3A_413 : vector<512x512xi1>, vector<512x512xi32>
    %reduce_min3A_414 = arith.constant dense<2147483647> : vector<512xi32>
    %reduce_min3A_415 = vector.multi_reduction <minsi>, %select_n3A, %reduce_min3A_414 [1] : vector<512x512xi32> to vector<512xi32>
    %swap3A_416 = arith.constant 0 : index
    %swap3A_417 = vector.load %arg36[%swap3A_416] : memref<512xi32, #tpu.memory_space<vmem>>, vector<512xi32>
    tpu.vector_store %arg36[%swap3A_416], %reduce_min3A_415 {strides = array<i32>} : memref<512xi32, #tpu.memory_space<vmem>>, vector<512xi32>,
    return
  }
}

module attributes {stable_mosaic.version = 14 : i64} {
  func.func @_dec_body(%arg0: memref<16x32x512xf32, #tpu.memory_space<vmem>>, %arg1: memref<512x256xf32, #tpu.memory_space<vmem>>, %arg2: memref<512x256xf32, #tpu.memory_space<vmem>>, %arg3: memref<512xi32, #tpu.memory_space<vmem>>, %arg4: memref<1536x512xbf16, #tpu.memory_space<vmem>>, %arg5: memref<1x512xf32, #tpu.memory_space<vmem>>, %arg6: memref<1536x512xbf16, #tpu.memory_space<vmem>>, %arg7: memref<1x512xf32, #tpu.memory_space<vmem>>, %arg8: memref<512x512xbf16, #tpu.memory_space<vmem>>, %arg9: memref<1x512xf32, #tpu.memory_space<vmem>>, %arg10: memref<1536x512xbf16, #tpu.memory_space<vmem>>, %arg11: memref<1x512xf32, #tpu.memory_space<vmem>>, %arg12: memref<512x512xbf16, #tpu.memory_space<vmem>>, %arg13: memref<1x512xf32, #tpu.memory_space<vmem>>, %arg14: memref<1536x512xbf16, #tpu.memory_space<vmem>>, %arg15: memref<1x512xf32, #tpu.memory_space<vmem>>, %arg16: memref<512x512xbf16, #tpu.memory_space<vmem>>, %arg17: memref<1x512xf32, #tpu.memory_space<vmem>>, %arg18: memref<1536x512xbf16, #tpu.memory_space<vmem>>, %arg19: memref<1x512xf32, #tpu.memory_space<vmem>>, %arg20: memref<1536x512xbf16, #tpu.memory_space<vmem>>, %arg21: memref<1x512xf32, #tpu.memory_space<vmem>>, %arg22: memref<512x512xbf16, #tpu.memory_space<vmem>>, %arg23: memref<1x512xf32, #tpu.memory_space<vmem>>, %arg24: memref<1536x512xbf16, #tpu.memory_space<vmem>>, %arg25: memref<1x512xf32, #tpu.memory_space<vmem>>, %arg26: memref<512x512xbf16, #tpu.memory_space<vmem>>, %arg27: memref<1x512xf32, #tpu.memory_space<vmem>>, %arg28: memref<1536x512xbf16, #tpu.memory_space<vmem>>, %arg29: memref<1x512xf32, #tpu.memory_space<vmem>>, %arg30: memref<512x512xbf16, #tpu.memory_space<vmem>>, %arg31: memref<1x512xf32, #tpu.memory_space<vmem>>, %arg32: memref<1536x512xbf16, #tpu.memory_space<vmem>>, %arg33: memref<1x512xf32, #tpu.memory_space<vmem>>, %arg34: memref<1536x512xbf16, #tpu.memory_space<vmem>>, %arg35: memref<1x512xf32, #tpu.memory_space<vmem>>, %arg36: memref<1536x263xbf16, #tpu.memory_space<vmem>>, %arg37: memref<1x263xf32, #tpu.memory_space<vmem>>, %arg38: memref<64x32x263xf32, #tpu.memory_space<vmem>>, %arg39: memref<1x1xf32, #tpu.memory_space<vmem>>, %arg40: memref<1x1xf32, #tpu.memory_space<vmem>>) attributes {dimension_semantics = [], scalar_prefetch = 0 : i64, scratch_operands = 0 : i64, tpu.core_type = #tpu.core_type<tc>} {
    %get3A = arith.constant 0 : index
    %get3A_0 = arith.constant 0 : index
    %get3A_1 = arith.constant 0 : index
    %get3A_2 = vector.load %arg0[%get3A, %get3A_0, %get3A_1] : memref<16x32x512xf32, #tpu.memory_space<vmem>>, vector<16x32x512xf32>
    %get3A_3 = arith.constant 0 : index
    %get3A_4 = arith.constant 0 : index
    %get3A_5 = vector.load %arg1[%get3A_3, %get3A_4] : memref<512x256xf32, #tpu.memory_space<vmem>>, vector<512x256xf32>
    %get3A_6 = arith.constant 0 : index
    %get3A_7 = arith.constant 0 : index
    %get3A_8 = vector.load %arg2[%get3A_6, %get3A_7] : memref<512x256xf32, #tpu.memory_space<vmem>>, vector<512x256xf32>
    %get3A_9 = arith.constant 0 : index
    %get3A_10 = vector.load %arg3[%get3A_9] : memref<512xi32, #tpu.memory_space<vmem>>, vector<512xi32>
    %get3A_11 = arith.constant 0 : index
    %get3A_12 = arith.constant 0 : index
    %get3A_13 = vector.load %arg4[%get3A_11, %get3A_12] : memref<1536x512xbf16, #tpu.memory_space<vmem>>, vector<1536x512xbf16>
    %get3A_14 = arith.constant 0 : index
    %get3A_15 = arith.constant 0 : index
    %get3A_16 = vector.load %arg5[%get3A_14, %get3A_15] : memref<1x512xf32, #tpu.memory_space<vmem>>, vector<1x512xf32>
    %get3A_17 = arith.constant 0 : index
    %get3A_18 = arith.constant 0 : index
    %get3A_19 = vector.load %arg6[%get3A_17, %get3A_18] : memref<1536x512xbf16, #tpu.memory_space<vmem>>, vector<1536x512xbf16>
    %get3A_20 = arith.constant 0 : index
    %get3A_21 = arith.constant 0 : index
    %get3A_22 = vector.load %arg7[%get3A_20, %get3A_21] : memref<1x512xf32, #tpu.memory_space<vmem>>, vector<1x512xf32>
    %get3A_23 = arith.constant 0 : index
    %get3A_24 = arith.constant 0 : index
    %get3A_25 = vector.load %arg8[%get3A_23, %get3A_24] : memref<512x512xbf16, #tpu.memory_space<vmem>>, vector<512x512xbf16>
    %get3A_26 = arith.constant 0 : index
    %get3A_27 = arith.constant 0 : index
    %get3A_28 = vector.load %arg9[%get3A_26, %get3A_27] : memref<1x512xf32, #tpu.memory_space<vmem>>, vector<1x512xf32>
    %get3A_29 = arith.constant 0 : index
    %get3A_30 = arith.constant 0 : index
    %get3A_31 = vector.load %arg10[%get3A_29, %get3A_30] : memref<1536x512xbf16, #tpu.memory_space<vmem>>, vector<1536x512xbf16>
    %get3A_32 = arith.constant 0 : index
    %get3A_33 = arith.constant 0 : index
    %get3A_34 = vector.load %arg11[%get3A_32, %get3A_33] : memref<1x512xf32, #tpu.memory_space<vmem>>, vector<1x512xf32>
    %get3A_35 = arith.constant 0 : index
    %get3A_36 = arith.constant 0 : index
    %get3A_37 = vector.load %arg12[%get3A_35, %get3A_36] : memref<512x512xbf16, #tpu.memory_space<vmem>>, vector<512x512xbf16>
    %get3A_38 = arith.constant 0 : index
    %get3A_39 = arith.constant 0 : index
    %get3A_40 = vector.load %arg13[%get3A_38, %get3A_39] : memref<1x512xf32, #tpu.memory_space<vmem>>, vector<1x512xf32>
    %get3A_41 = arith.constant 0 : index
    %get3A_42 = arith.constant 0 : index
    %get3A_43 = vector.load %arg14[%get3A_41, %get3A_42] : memref<1536x512xbf16, #tpu.memory_space<vmem>>, vector<1536x512xbf16>
    %get3A_44 = arith.constant 0 : index
    %get3A_45 = arith.constant 0 : index
    %get3A_46 = vector.load %arg15[%get3A_44, %get3A_45] : memref<1x512xf32, #tpu.memory_space<vmem>>, vector<1x512xf32>
    %get3A_47 = arith.constant 0 : index
    %get3A_48 = arith.constant 0 : index
    %get3A_49 = vector.load %arg16[%get3A_47, %get3A_48] : memref<512x512xbf16, #tpu.memory_space<vmem>>, vector<512x512xbf16>
    %get3A_50 = arith.constant 0 : index
    %get3A_51 = arith.constant 0 : index
    %get3A_52 = vector.load %arg17[%get3A_50, %get3A_51] : memref<1x512xf32, #tpu.memory_space<vmem>>, vector<1x512xf32>
    %get3A_53 = arith.constant 0 : index
    %get3A_54 = arith.constant 0 : index
    %get3A_55 = vector.load %arg18[%get3A_53, %get3A_54] : memref<1536x512xbf16, #tpu.memory_space<vmem>>, vector<1536x512xbf16>
    %get3A_56 = arith.constant 0 : index
    %get3A_57 = arith.constant 0 : index
    %get3A_58 = vector.load %arg19[%get3A_56, %get3A_57] : memref<1x512xf32, #tpu.memory_space<vmem>>, vector<1x512xf32>
    %get3A_59 = arith.constant 0 : index
    %get3A_60 = arith.constant 0 : index
    %get3A_61 = vector.load %arg20[%get3A_59, %get3A_60] : memref<1536x512xbf16, #tpu.memory_space<vmem>>, vector<1536x512xbf16>
    %get3A_62 = arith.constant 0 : index
    %get3A_63 = arith.constant 0 : index
    %get3A_64 = vector.load %arg21[%get3A_62, %get3A_63] : memref<1x512xf32, #tpu.memory_space<vmem>>, vector<1x512xf32>
    %get3A_65 = arith.constant 0 : index
    %get3A_66 = arith.constant 0 : index
    %get3A_67 = vector.load %arg22[%get3A_65, %get3A_66] : memref<512x512xbf16, #tpu.memory_space<vmem>>, vector<512x512xbf16>
    %get3A_68 = arith.constant 0 : index
    %get3A_69 = arith.constant 0 : index
    %get3A_70 = vector.load %arg23[%get3A_68, %get3A_69] : memref<1x512xf32, #tpu.memory_space<vmem>>, vector<1x512xf32>
    %get3A_71 = arith.constant 0 : index
    %get3A_72 = arith.constant 0 : index
    %get3A_73 = vector.load %arg24[%get3A_71, %get3A_72] : memref<1536x512xbf16, #tpu.memory_space<vmem>>, vector<1536x512xbf16>
    %get3A_74 = arith.constant 0 : index
    %get3A_75 = arith.constant 0 : index
    %get3A_76 = vector.load %arg25[%get3A_74, %get3A_75] : memref<1x512xf32, #tpu.memory_space<vmem>>, vector<1x512xf32>
    %get3A_77 = arith.constant 0 : index
    %get3A_78 = arith.constant 0 : index
    %get3A_79 = vector.load %arg26[%get3A_77, %get3A_78] : memref<512x512xbf16, #tpu.memory_space<vmem>>, vector<512x512xbf16>
    %get3A_80 = arith.constant 0 : index
    %get3A_81 = arith.constant 0 : index
    %get3A_82 = vector.load %arg27[%get3A_80, %get3A_81] : memref<1x512xf32, #tpu.memory_space<vmem>>, vector<1x512xf32>
    %get3A_83 = arith.constant 0 : index
    %get3A_84 = arith.constant 0 : index
    %get3A_85 = vector.load %arg28[%get3A_83, %get3A_84] : memref<1536x512xbf16, #tpu.memory_space<vmem>>, vector<1536x512xbf16>
    %get3A_86 = arith.constant 0 : index
    %get3A_87 = arith.constant 0 : index
    %get3A_88 = vector.load %arg29[%get3A_86, %get3A_87] : memref<1x512xf32, #tpu.memory_space<vmem>>, vector<1x512xf32>
    %get3A_89 = arith.constant 0 : index
    %get3A_90 = arith.constant 0 : index
    %get3A_91 = vector.load %arg30[%get3A_89, %get3A_90] : memref<512x512xbf16, #tpu.memory_space<vmem>>, vector<512x512xbf16>
    %get3A_92 = arith.constant 0 : index
    %get3A_93 = arith.constant 0 : index
    %get3A_94 = vector.load %arg31[%get3A_92, %get3A_93] : memref<1x512xf32, #tpu.memory_space<vmem>>, vector<1x512xf32>
    %get3A_95 = arith.constant 0 : index
    %get3A_96 = arith.constant 0 : index
    %get3A_97 = vector.load %arg32[%get3A_95, %get3A_96] : memref<1536x512xbf16, #tpu.memory_space<vmem>>, vector<1536x512xbf16>
    %get3A_98 = arith.constant 0 : index
    %get3A_99 = arith.constant 0 : index
    %get3A_100 = vector.load %arg33[%get3A_98, %get3A_99] : memref<1x512xf32, #tpu.memory_space<vmem>>, vector<1x512xf32>
    %get3A_101 = arith.constant 0 : index
    %get3A_102 = arith.constant 0 : index
    %get3A_103 = vector.load %arg34[%get3A_101, %get3A_102] : memref<1536x512xbf16, #tpu.memory_space<vmem>>, vector<1536x512xbf16>
    %get3A_104 = arith.constant 0 : index
    %get3A_105 = arith.constant 0 : index
    %get3A_106 = vector.load %arg35[%get3A_104, %get3A_105] : memref<1x512xf32, #tpu.memory_space<vmem>>, vector<1x512xf32>
    %get3A_107 = arith.constant 0 : index
    %get3A_108 = arith.constant 0 : index
    %get3A_109 = vector.load %arg36[%get3A_107, %get3A_108] : memref<1536x263xbf16, #tpu.memory_space<vmem>>, vector<1536x263xbf16>
    %get3A_110 = arith.constant 0 : index
    %get3A_111 = arith.constant 0 : index
    %get3A_112 = vector.load %arg37[%get3A_110, %get3A_111] : memref<1x263xf32, #tpu.memory_space<vmem>>, vector<1x263xf32>
    %convert_element_type3A = arith.truncf %get3A_2 : vector<16x32x512xf32> to vector<16x32x512xbf16>
    %jit3A = arith.constant 0 : i32
    %convert_element_type3A_113 = arith.sitofp %jit3A : i32 to bf16
    %pad3A = vector.broadcast %convert_element_type3A_113 : bf16 to vector<1x32x512xbf16>
    %pad3A_114 = tpu.concatenate %pad3A, %convert_element_type3A in 0 : vector<1x32x512xbf16>, vector<16x32x512xbf16> -> vector<17x32x512xbf16>
    %pad3A_115 = vector.broadcast %convert_element_type3A_113 : bf16 to vector<1x32x512xbf16>
    %pad3A_116 = tpu.concatenate %pad3A_114, %pad3A_115 in 0 : vector<17x32x512xbf16>, vector<1x32x512xbf16> -> vector<18x32x512xbf16>
    %slice3A = vector.extract_strided_slice %pad3A_116 {offsets = [0, 0, 0], sizes = [16, 32, 512], strides = [1, 1, 1]} : vector<18x32x512xbf16> to vector<16x32x512xbf16>
    %reshape3A = vector.shape_cast %slice3A : vector<16x32x512xbf16> to vector<512x512xbf16>
    %slice3A_117 = vector.extract_strided_slice %pad3A_116 {offsets = [1, 0, 0], sizes = [16, 32, 512], strides = [1, 1, 1]} : vector<18x32x512xbf16> to vector<16x32x512xbf16>
    %reshape3A_118 = vector.shape_cast %slice3A_117 : vector<16x32x512xbf16> to vector<512x512xbf16>
    %slice3A_119 = vector.extract_strided_slice %pad3A_116 {offsets = [2, 0, 0], sizes = [16, 32, 512], strides = [1, 1, 1]} : vector<18x32x512xbf16> to vector<16x32x512xbf16>
    %reshape3A_120 = vector.shape_cast %slice3A_119 : vector<16x32x512xbf16> to vector<512x512xbf16>
    %concatenate3A = tpu.concatenate %reshape3A, %reshape3A_118, %reshape3A_120 in 1 : vector<512x512xbf16>, vector<512x512xbf16>, vector<512x512xbf16> -> vector<512x1536xbf16>
    %dot_general3A = arith.constant dense<0.000000e+00> : vector<512x512xf32>
    %dot_general3A_121 = tpu.matmul %concatenate3A, %get3A_13, %dot_general3A {dimension_numbers = #tpu.dot_dimension_numbers<[1], [0], [0], [1], [0, 0, 1, 1], [], []>, transpose_lhs_hint = false} : vector<512x1536xbf16>, vector<1536x512xbf16>, vector<512x512xf32> -> vector<512x512xf32>
    %add3A = vector.broadcast %get3A_16 : vector<1x512xf32> to vector<512x512xf32>
    %add3A_122 = arith.addf %dot_general3A_121, %add3A : vector<512x512xf32>
    %reshape3A_123 = vector.shape_cast %add3A_122 : vector<512x512xf32> to vector<16x32x512xf32>
    %max3A = arith.constant 0.000000e+00 : f32
    %max3A_124 = vector.broadcast %max3A : f32 to vector<16x32x512xf32>
    %max3A_125 = arith.maximumf %reshape3A_123, %max3A_124 : vector<16x32x512xf32>
    %max3A_126 = arith.constant 0.000000e+00 : f32
    %max3A_127 = vector.broadcast %max3A_126 : f32 to vector<16x32x512xf32>
    %max3A_128 = arith.maximumf %max3A_125, %max3A_127 : vector<16x32x512xf32>
    %convert_element_type3A_129 = arith.truncf %max3A_128 : vector<16x32x512xf32> to vector<16x32x512xbf16>
    %jit3A_130 = arith.constant 0 : i32
    %convert_element_type3A_131 = arith.sitofp %jit3A_130 : i32 to bf16
    %pad3A_132 = vector.broadcast %convert_element_type3A_131 : bf16 to vector<9x32x512xbf16>
    %pad3A_133 = tpu.concatenate %pad3A_132, %convert_element_type3A_129 in 0 : vector<9x32x512xbf16>, vector<16x32x512xbf16> -> vector<25x32x512xbf16>
    %pad3A_134 = vector.broadcast %convert_element_type3A_131 : bf16 to vector<9x32x512xbf16>
    %pad3A_135 = tpu.concatenate %pad3A_133, %pad3A_134 in 0 : vector<25x32x512xbf16>, vector<9x32x512xbf16> -> vector<34x32x512xbf16>
    %slice3A_136 = vector.extract_strided_slice %pad3A_135 {offsets = [0, 0, 0], sizes = [16, 32, 512], strides = [1, 1, 1]} : vector<34x32x512xbf16> to vector<16x32x512xbf16>
    %reshape3A_137 = vector.shape_cast %slice3A_136 : vector<16x32x512xbf16> to vector<512x512xbf16>
    %slice3A_138 = vector.extract_strided_slice %pad3A_135 {offsets = [9, 0, 0], sizes = [16, 32, 512], strides = [1, 1, 1]} : vector<34x32x512xbf16> to vector<16x32x512xbf16>
    %reshape3A_139 = vector.shape_cast %slice3A_138 : vector<16x32x512xbf16> to vector<512x512xbf16>
    %slice3A_140 = vector.extract_strided_slice %pad3A_135 {offsets = [18, 0, 0], sizes = [16, 32, 512], strides = [1, 1, 1]} : vector<34x32x512xbf16> to vector<16x32x512xbf16>
    %reshape3A_141 = vector.shape_cast %slice3A_140 : vector<16x32x512xbf16> to vector<512x512xbf16>
    %concatenate3A_142 = tpu.concatenate %reshape3A_137, %reshape3A_139, %reshape3A_141 in 1 : vector<512x512xbf16>, vector<512x512xbf16>, vector<512x512xbf16> -> vector<512x1536xbf16>
    %dot_general3A_143 = arith.constant dense<0.000000e+00> : vector<512x512xf32>
    %dot_general3A_144 = tpu.matmul %concatenate3A_142, %get3A_19, %dot_general3A_143 {dimension_numbers = #tpu.dot_dimension_numbers<[1], [0], [0], [1], [0, 0, 1, 1], [], []>, transpose_lhs_hint = false} : vector<512x1536xbf16>, vector<1536x512xbf16>, vector<512x512xf32> -> vector<512x512xf32>
    %add3A_145 = vector.broadcast %get3A_22 : vector<1x512xf32> to vector<512x512xf32>
    %add3A_146 = arith.addf %dot_general3A_144, %add3A_145 : vector<512x512xf32>
    %reshape3A_147 = vector.shape_cast %add3A_146 : vector<512x512xf32> to vector<16x32x512xf32>
    %max3A_148 = arith.constant 0.000000e+00 : f32
    %max3A_149 = vector.broadcast %max3A_148 : f32 to vector<16x32x512xf32>
    %max3A_150 = arith.maximumf %reshape3A_147, %max3A_149 : vector<16x32x512xf32>
    %convert_element_type3A_151 = arith.truncf %max3A_150 : vector<16x32x512xf32> to vector<16x32x512xbf16>
    %slice3A_152 = vector.extract_strided_slice %convert_element_type3A_151 {offsets = [0, 0, 0], sizes = [16, 32, 512], strides = [1, 1, 1]} : vector<16x32x512xbf16> to vector<16x32x512xbf16>
    %reshape3A_153 = vector.shape_cast %slice3A_152 : vector<16x32x512xbf16> to vector<512x512xbf16>
    %dot_general3A_154 = arith.constant dense<0.000000e+00> : vector<512x512xf32>
    %dot_general3A_155 = tpu.matmul %reshape3A_153, %get3A_25, %dot_general3A_154 {dimension_numbers = #tpu.dot_dimension_numbers<[1], [0], [0], [1], [0, 0, 1, 1], [], []>, transpose_lhs_hint = false} : vector<512x512xbf16>, vector<512x512xbf16>, vector<512x512xf32> -> vector<512x512xf32>
    %add3A_156 = vector.broadcast %get3A_28 : vector<1x512xf32> to vector<512x512xf32>
    %add3A_157 = arith.addf %dot_general3A_155, %add3A_156 : vector<512x512xf32>
    %reshape3A_158 = vector.shape_cast %add3A_157 : vector<512x512xf32> to vector<16x32x512xf32>
    %add3A_159 = arith.addf %max3A_125, %reshape3A_158 : vector<16x32x512xf32>
    %max3A_160 = arith.constant 0.000000e+00 : f32
    %max3A_161 = vector.broadcast %max3A_160 : f32 to vector<16x32x512xf32>
    %max3A_162 = arith.maximumf %add3A_159, %max3A_161 : vector<16x32x512xf32>
    %convert_element_type3A_163 = arith.truncf %max3A_162 : vector<16x32x512xf32> to vector<16x32x512xbf16>
    %jit3A_164 = arith.constant 0 : i32
    %convert_element_type3A_165 = arith.sitofp %jit3A_164 : i32 to bf16
    %pad3A_166 = vector.broadcast %convert_element_type3A_165 : bf16 to vector<3x32x512xbf16>
    %pad3A_167 = tpu.concatenate %pad3A_166, %convert_element_type3A_163 in 0 : vector<3x32x512xbf16>, vector<16x32x512xbf16> -> vector<19x32x512xbf16>
    %pad3A_168 = vector.broadcast %convert_element_type3A_165 : bf16 to vector<3x32x512xbf16>
    %pad3A_169 = tpu.concatenate %pad3A_167, %pad3A_168 in 0 : vector<19x32x512xbf16>, vector<3x32x512xbf16> -> vector<22x32x512xbf16>
    %slice3A_170 = vector.extract_strided_slice %pad3A_169 {offsets = [0, 0, 0], sizes = [16, 32, 512], strides = [1, 1, 1]} : vector<22x32x512xbf16> to vector<16x32x512xbf16>
    %reshape3A_171 = vector.shape_cast %slice3A_170 : vector<16x32x512xbf16> to vector<512x512xbf16>
    %slice3A_172 = vector.extract_strided_slice %pad3A_169 {offsets = [3, 0, 0], sizes = [16, 32, 512], strides = [1, 1, 1]} : vector<22x32x512xbf16> to vector<16x32x512xbf16>
    %reshape3A_173 = vector.shape_cast %slice3A_172 : vector<16x32x512xbf16> to vector<512x512xbf16>
    %slice3A_174 = vector.extract_strided_slice %pad3A_169 {offsets = [6, 0, 0], sizes = [16, 32, 512], strides = [1, 1, 1]} : vector<22x32x512xbf16> to vector<16x32x512xbf16>
    %reshape3A_175 = vector.shape_cast %slice3A_174 : vector<16x32x512xbf16> to vector<512x512xbf16>
    %concatenate3A_176 = tpu.concatenate %reshape3A_171, %reshape3A_173, %reshape3A_175 in 1 : vector<512x512xbf16>, vector<512x512xbf16>, vector<512x512xbf16> -> vector<512x1536xbf16>
    %dot_general3A_177 = arith.constant dense<0.000000e+00> : vector<512x512xf32>
    %dot_general3A_178 = tpu.matmul %concatenate3A_176, %get3A_31, %dot_general3A_177 {dimension_numbers = #tpu.dot_dimension_numbers<[1], [0], [0], [1], [0, 0, 1, 1], [], []>, transpose_lhs_hint = false} : vector<512x1536xbf16>, vector<1536x512xbf16>, vector<512x512xf32> -> vector<512x512xf32>
    %add3A_179 = vector.broadcast %get3A_34 : vector<1x512xf32> to vector<512x512xf32>
    %add3A_180 = arith.addf %dot_general3A_178, %add3A_179 : vector<512x512xf32>
    %reshape3A_181 = vector.shape_cast %add3A_180 : vector<512x512xf32> to vector<16x32x512xf32>
    %max3A_182 = arith.constant 0.000000e+00 : f32
    %max3A_183 = vector.broadcast %max3A_182 : f32 to vector<16x32x512xf32>
    %max3A_184 = arith.maximumf %reshape3A_181, %max3A_183 : vector<16x32x512xf32>
    %convert_element_type3A_185 = arith.truncf %max3A_184 : vector<16x32x512xf32> to vector<16x32x512xbf16>
    %slice3A_186 = vector.extract_strided_slice %convert_element_type3A_185 {offsets = [0, 0, 0], sizes = [16, 32, 512], strides = [1, 1, 1]} : vector<16x32x512xbf16> to vector<16x32x512xbf16>
    %reshape3A_187 = vector.shape_cast %slice3A_186 : vector<16x32x512xbf16> to vector<512x512xbf16>
    %dot_general3A_188 = arith.constant dense<0.000000e+00> : vector<512x512xf32>
    %dot_general3A_189 = tpu.matmul %reshape3A_187, %get3A_37, %dot_general3A_188 {dimension_numbers = #tpu.dot_dimension_numbers<[1], [0], [0], [1], [0, 0, 1, 1], [], []>, transpose_lhs_hint = false} : vector<512x512xbf16>, vector<512x512xbf16>, vector<512x512xf32> -> vector<512x512xf32>
    %add3A_190 = vector.broadcast %get3A_40 : vector<1x512xf32> to vector<512x512xf32>
    %add3A_191 = arith.addf %dot_general3A_189, %add3A_190 : vector<512x512xf32>
    %reshape3A_192 = vector.shape_cast %add3A_191 : vector<512x512xf32> to vector<16x32x512xf32>
    %add3A_193 = arith.addf %add3A_159, %reshape3A_192 : vector<16x32x512xf32>
    %max3A_194 = arith.constant 0.000000e+00 : f32
    %max3A_195 = vector.broadcast %max3A_194 : f32 to vector<16x32x512xf32>
    %max3A_196 = arith.maximumf %add3A_193, %max3A_195 : vector<16x32x512xf32>
    %convert_element_type3A_197 = arith.truncf %max3A_196 : vector<16x32x512xf32> to vector<16x32x512xbf16>
    %jit3A_198 = arith.constant 0 : i32
    %convert_element_type3A_199 = arith.sitofp %jit3A_198 : i32 to bf16
    %pad3A_200 = vector.broadcast %convert_element_type3A_199 : bf16 to vector<1x32x512xbf16>
    %pad3A_201 = tpu.concatenate %pad3A_200, %convert_element_type3A_197 in 0 : vector<1x32x512xbf16>, vector<16x32x512xbf16> -> vector<17x32x512xbf16>
    %pad3A_202 = vector.broadcast %convert_element_type3A_199 : bf16 to vector<1x32x512xbf16>
    %pad3A_203 = tpu.concatenate %pad3A_201, %pad3A_202 in 0 : vector<17x32x512xbf16>, vector<1x32x512xbf16> -> vector<18x32x512xbf16>
    %slice3A_204 = vector.extract_strided_slice %pad3A_203 {offsets = [0, 0, 0], sizes = [16, 32, 512], strides = [1, 1, 1]} : vector<18x32x512xbf16> to vector<16x32x512xbf16>
    %reshape3A_205 = vector.shape_cast %slice3A_204 : vector<16x32x512xbf16> to vector<512x512xbf16>
    %slice3A_206 = vector.extract_strided_slice %pad3A_203 {offsets = [1, 0, 0], sizes = [16, 32, 512], strides = [1, 1, 1]} : vector<18x32x512xbf16> to vector<16x32x512xbf16>
    %reshape3A_207 = vector.shape_cast %slice3A_206 : vector<16x32x512xbf16> to vector<512x512xbf16>
    %slice3A_208 = vector.extract_strided_slice %pad3A_203 {offsets = [2, 0, 0], sizes = [16, 32, 512], strides = [1, 1, 1]} : vector<18x32x512xbf16> to vector<16x32x512xbf16>
    %reshape3A_209 = vector.shape_cast %slice3A_208 : vector<16x32x512xbf16> to vector<512x512xbf16>
    %concatenate3A_210 = tpu.concatenate %reshape3A_205, %reshape3A_207, %reshape3A_209 in 1 : vector<512x512xbf16>, vector<512x512xbf16>, vector<512x512xbf16> -> vector<512x1536xbf16>
    %dot_general3A_211 = arith.constant dense<0.000000e+00> : vector<512x512xf32>
    %dot_general3A_212 = tpu.matmul %concatenate3A_210, %get3A_43, %dot_general3A_211 {dimension_numbers = #tpu.dot_dimension_numbers<[1], [0], [0], [1], [0, 0, 1, 1], [], []>, transpose_lhs_hint = false} : vector<512x1536xbf16>, vector<1536x512xbf16>, vector<512x512xf32> -> vector<512x512xf32>
    %add3A_213 = vector.broadcast %get3A_46 : vector<1x512xf32> to vector<512x512xf32>
    %add3A_214 = arith.addf %dot_general3A_212, %add3A_213 : vector<512x512xf32>
    %reshape3A_215 = vector.shape_cast %add3A_214 : vector<512x512xf32> to vector<16x32x512xf32>
    %max3A_216 = arith.constant 0.000000e+00 : f32
    %max3A_217 = vector.broadcast %max3A_216 : f32 to vector<16x32x512xf32>
    %max3A_218 = arith.maximumf %reshape3A_215, %max3A_217 : vector<16x32x512xf32>
    %convert_element_type3A_219 = arith.truncf %max3A_218 : vector<16x32x512xf32> to vector<16x32x512xbf16>
    %slice3A_220 = vector.extract_strided_slice %convert_element_type3A_219 {offsets = [0, 0, 0], sizes = [16, 32, 512], strides = [1, 1, 1]} : vector<16x32x512xbf16> to vector<16x32x512xbf16>
    %reshape3A_221 = vector.shape_cast %slice3A_220 : vector<16x32x512xbf16> to vector<512x512xbf16>
    %dot_general3A_222 = arith.constant dense<0.000000e+00> : vector<512x512xf32>
    %dot_general3A_223 = tpu.matmul %reshape3A_221, %get3A_49, %dot_general3A_222 {dimension_numbers = #tpu.dot_dimension_numbers<[1], [0], [0], [1], [0, 0, 1, 1], [], []>, transpose_lhs_hint = false} : vector<512x512xbf16>, vector<512x512xbf16>, vector<512x512xf32> -> vector<512x512xf32>
    %add3A_224 = vector.broadcast %get3A_52 : vector<1x512xf32> to vector<512x512xf32>
    %add3A_225 = arith.addf %dot_general3A_223, %add3A_224 : vector<512x512xf32>
    %reshape3A_226 = vector.shape_cast %add3A_225 : vector<512x512xf32> to vector<16x32x512xf32>
    %add3A_227 = arith.addf %add3A_193, %reshape3A_226 : vector<16x32x512xf32>
    %stack3A = vector.shape_cast %add3A_227 : vector<16x32x512xf32> to vector<16x1x32x512xf32>
    %stack3A_228 = vector.shape_cast %add3A_227 : vector<16x32x512xf32> to vector<16x1x32x512xf32>
    %stack3A_229 = tpu.concatenate %stack3A, %stack3A_228 in 1 : vector<16x1x32x512xf32>, vector<16x1x32x512xf32> -> vector<16x2x32x512xf32>
    %reshape3A_230 = vector.shape_cast %stack3A_229 : vector<16x2x32x512xf32> to vector<32x32x512xf32>
    %convert_element_type3A_231 = arith.truncf %reshape3A_230 : vector<32x32x512xf32> to vector<32x32x512xbf16>
    %jit3A_232 = arith.constant 0 : i32
    %convert_element_type3A_233 = arith.sitofp %jit3A_232 : i32 to bf16
    %pad3A_234 = vector.broadcast %convert_element_type3A_233 : bf16 to vector<1x32x512xbf16>
    %pad3A_235 = tpu.concatenate %pad3A_234, %convert_element_type3A_231 in 0 : vector<1x32x512xbf16>, vector<32x32x512xbf16> -> vector<33x32x512xbf16>
    %pad3A_236 = vector.broadcast %convert_element_type3A_233 : bf16 to vector<1x32x512xbf16>
    %pad3A_237 = tpu.concatenate %pad3A_235, %pad3A_236 in 0 : vector<33x32x512xbf16>, vector<1x32x512xbf16> -> vector<34x32x512xbf16>
    %slice3A_238 = vector.extract_strided_slice %pad3A_237 {offsets = [0, 0, 0], sizes = [32, 32, 512], strides = [1, 1, 1]} : vector<34x32x512xbf16> to vector<32x32x512xbf16>
    %reshape3A_239 = vector.shape_cast %slice3A_238 : vector<32x32x512xbf16> to vector<1024x512xbf16>
    %slice3A_240 = vector.extract_strided_slice %pad3A_237 {offsets = [1, 0, 0], sizes = [32, 32, 512], strides = [1, 1, 1]} : vector<34x32x512xbf16> to vector<32x32x512xbf16>
    %reshape3A_241 = vector.shape_cast %slice3A_240 : vector<32x32x512xbf16> to vector<1024x512xbf16>
    %slice3A_242 = vector.extract_strided_slice %pad3A_237 {offsets = [2, 0, 0], sizes = [32, 32, 512], strides = [1, 1, 1]} : vector<34x32x512xbf16> to vector<32x32x512xbf16>
    %reshape3A_243 = vector.shape_cast %slice3A_242 : vector<32x32x512xbf16> to vector<1024x512xbf16>
    %concatenate3A_244 = tpu.concatenate %reshape3A_239, %reshape3A_241, %reshape3A_243 in 1 : vector<1024x512xbf16>, vector<1024x512xbf16>, vector<1024x512xbf16> -> vector<1024x1536xbf16>
    %dot_general3A_245 = arith.constant dense<0.000000e+00> : vector<1024x512xf32>
    %dot_general3A_246 = tpu.matmul %concatenate3A_244, %get3A_55, %dot_general3A_245 {dimension_numbers = #tpu.dot_dimension_numbers<[1], [0], [0], [1], [0, 0, 1, 1], [], []>, transpose_lhs_hint = false} : vector<1024x1536xbf16>, vector<1536x512xbf16>, vector<1024x512xf32> -> vector<1024x512xf32>
    %add3A_247 = vector.broadcast %get3A_58 : vector<1x512xf32> to vector<1024x512xf32>
    %add3A_248 = arith.addf %dot_general3A_246, %add3A_247 : vector<1024x512xf32>
    %reshape3A_249 = vector.shape_cast %add3A_248 : vector<1024x512xf32> to vector<32x32x512xf32>
    %max3A_250 = arith.constant 0.000000e+00 : f32
    %max3A_251 = vector.broadcast %max3A_250 : f32 to vector<32x32x512xf32>
    %max3A_252 = arith.maximumf %reshape3A_249, %max3A_251 : vector<32x32x512xf32>
    %convert_element_type3A_253 = arith.truncf %max3A_252 : vector<32x32x512xf32> to vector<32x32x512xbf16>
    %jit3A_254 = arith.constant 0 : i32
    %convert_element_type3A_255 = arith.sitofp %jit3A_254 : i32 to bf16
    %pad3A_256 = vector.broadcast %convert_element_type3A_255 : bf16 to vector<9x32x512xbf16>
    %pad3A_257 = tpu.concatenate %pad3A_256, %convert_element_type3A_253 in 0 : vector<9x32x512xbf16>, vector<32x32x512xbf16> -> vector<41x32x512xbf16>
    %pad3A_258 = vector.broadcast %convert_element_type3A_255 : bf16 to vector<9x32x512xbf16>
    %pad3A_259 = tpu.concatenate %pad3A_257, %pad3A_258 in 0 : vector<41x32x512xbf16>, vector<9x32x512xbf16> -> vector<50x32x512xbf16>
    %slice3A_260 = vector.extract_strided_slice %pad3A_259 {offsets = [0, 0, 0], sizes = [32, 32, 512], strides = [1, 1, 1]} : vector<50x32x512xbf16> to vector<32x32x512xbf16>
    %reshape3A_261 = vector.shape_cast %slice3A_260 : vector<32x32x512xbf16> to vector<1024x512xbf16>
    %slice3A_262 = vector.extract_strided_slice %pad3A_259 {offsets = [9, 0, 0], sizes = [32, 32, 512], strides = [1, 1, 1]} : vector<50x32x512xbf16> to vector<32x32x512xbf16>
    %reshape3A_263 = vector.shape_cast %slice3A_262 : vector<32x32x512xbf16> to vector<1024x512xbf16>
    %slice3A_264 = vector.extract_strided_slice %pad3A_259 {offsets = [18, 0, 0], sizes = [32, 32, 512], strides = [1, 1, 1]} : vector<50x32x512xbf16> to vector<32x32x512xbf16>
    %reshape3A_265 = vector.shape_cast %slice3A_264 : vector<32x32x512xbf16> to vector<1024x512xbf16>
    %concatenate3A_266 = tpu.concatenate %reshape3A_261, %reshape3A_263, %reshape3A_265 in 1 : vector<1024x512xbf16>, vector<1024x512xbf16>, vector<1024x512xbf16> -> vector<1024x1536xbf16>
    %dot_general3A_267 = arith.constant dense<0.000000e+00> : vector<1024x512xf32>
    %dot_general3A_268 = tpu.matmul %concatenate3A_266, %get3A_61, %dot_general3A_267 {dimension_numbers = #tpu.dot_dimension_numbers<[1], [0], [0], [1], [0, 0, 1, 1], [], []>, transpose_lhs_hint = false} : vector<1024x1536xbf16>, vector<1536x512xbf16>, vector<1024x512xf32> -> vector<1024x512xf32>
    %add3A_269 = vector.broadcast %get3A_64 : vector<1x512xf32> to vector<1024x512xf32>
    %add3A_270 = arith.addf %dot_general3A_268, %add3A_269 : vector<1024x512xf32>
    %reshape3A_271 = vector.shape_cast %add3A_270 : vector<1024x512xf32> to vector<32x32x512xf32>
    %max3A_272 = arith.constant 0.000000e+00 : f32
    %max3A_273 = vector.broadcast %max3A_272 : f32 to vector<32x32x512xf32>
    %max3A_274 = arith.maximumf %reshape3A_271, %max3A_273 : vector<32x32x512xf32>
    %convert_element_type3A_275 = arith.truncf %max3A_274 : vector<32x32x512xf32> to vector<32x32x512xbf16>
    %slice3A_276 = vector.extract_strided_slice %convert_element_type3A_275 {offsets = [0, 0, 0], sizes = [32, 32, 512], strides = [1, 1, 1]} : vector<32x32x512xbf16> to vector<32x32x512xbf16>
    %reshape3A_277 = vector.shape_cast %slice3A_276 : vector<32x32x512xbf16> to vector<1024x512xbf16>
    %dot_general3A_278 = arith.constant dense<0.000000e+00> : vector<1024x512xf32>
    %dot_general3A_279 = tpu.matmul %reshape3A_277, %get3A_67, %dot_general3A_278 {dimension_numbers = #tpu.dot_dimension_numbers<[1], [0], [0], [1], [0, 0, 1, 1], [], []>, transpose_lhs_hint = false} : vector<1024x512xbf16>, vector<512x512xbf16>, vector<1024x512xf32> -> vector<1024x512xf32>
    %add3A_280 = vector.broadcast %get3A_70 : vector<1x512xf32> to vector<1024x512xf32>
    %add3A_281 = arith.addf %dot_general3A_279, %add3A_280 : vector<1024x512xf32>
    %reshape3A_282 = vector.shape_cast %add3A_281 : vector<1024x512xf32> to vector<32x32x512xf32>
    %add3A_283 = arith.addf %reshape3A_249, %reshape3A_282 : vector<32x32x512xf32>
    %max3A_284 = arith.constant 0.000000e+00 : f32
    %max3A_285 = vector.broadcast %max3A_284 : f32 to vector<32x32x512xf32>
    %max3A_286 = arith.maximumf %add3A_283, %max3A_285 : vector<32x32x512xf32>
    %convert_element_type3A_287 = arith.truncf %max3A_286 : vector<32x32x512xf32> to vector<32x32x512xbf16>
    %jit3A_288 = arith.constant 0 : i32
    %convert_element_type3A_289 = arith.sitofp %jit3A_288 : i32 to bf16
    %pad3A_290 = vector.broadcast %convert_element_type3A_289 : bf16 to vector<3x32x512xbf16>
    %pad3A_291 = tpu.concatenate %pad3A_290, %convert_element_type3A_287 in 0 : vector<3x32x512xbf16>, vector<32x32x512xbf16> -> vector<35x32x512xbf16>
    %pad3A_292 = vector.broadcast %convert_element_type3A_289 : bf16 to vector<3x32x512xbf16>
    %pad3A_293 = tpu.concatenate %pad3A_291, %pad3A_292 in 0 : vector<35x32x512xbf16>, vector<3x32x512xbf16> -> vector<38x32x512xbf16>
    %slice3A_294 = vector.extract_strided_slice %pad3A_293 {offsets = [0, 0, 0], sizes = [32, 32, 512], strides = [1, 1, 1]} : vector<38x32x512xbf16> to vector<32x32x512xbf16>
    %reshape3A_295 = vector.shape_cast %slice3A_294 : vector<32x32x512xbf16> to vector<1024x512xbf16>
    %slice3A_296 = vector.extract_strided_slice %pad3A_293 {offsets = [3, 0, 0], sizes = [32, 32, 512], strides = [1, 1, 1]} : vector<38x32x512xbf16> to vector<32x32x512xbf16>
    %reshape3A_297 = vector.shape_cast %slice3A_296 : vector<32x32x512xbf16> to vector<1024x512xbf16>
    %slice3A_298 = vector.extract_strided_slice %pad3A_293 {offsets = [6, 0, 0], sizes = [32, 32, 512], strides = [1, 1, 1]} : vector<38x32x512xbf16> to vector<32x32x512xbf16>
    %reshape3A_299 = vector.shape_cast %slice3A_298 : vector<32x32x512xbf16> to vector<1024x512xbf16>
    %concatenate3A_300 = tpu.concatenate %reshape3A_295, %reshape3A_297, %reshape3A_299 in 1 : vector<1024x512xbf16>, vector<1024x512xbf16>, vector<1024x512xbf16> -> vector<1024x1536xbf16>
    %dot_general3A_301 = arith.constant dense<0.000000e+00> : vector<1024x512xf32>
    %dot_general3A_302 = tpu.matmul %concatenate3A_300, %get3A_73, %dot_general3A_301 {dimension_numbers = #tpu.dot_dimension_numbers<[1], [0], [0], [1], [0, 0, 1, 1], [], []>, transpose_lhs_hint = false} : vector<1024x1536xbf16>, vector<1536x512xbf16>, vector<1024x512xf32> -> vector<1024x512xf32>
    %add3A_303 = vector.broadcast %get3A_76 : vector<1x512xf32> to vector<1024x512xf32>
    %add3A_304 = arith.addf %dot_general3A_302, %add3A_303 : vector<1024x512xf32>
    %reshape3A_305 = vector.shape_cast %add3A_304 : vector<1024x512xf32> to vector<32x32x512xf32>
    %max3A_306 = arith.constant 0.000000e+00 : f32
    %max3A_307 = vector.broadcast %max3A_306 : f32 to vector<32x32x512xf32>
    %max3A_308 = arith.maximumf %reshape3A_305, %max3A_307 : vector<32x32x512xf32>
    %convert_element_type3A_309 = arith.truncf %max3A_308 : vector<32x32x512xf32> to vector<32x32x512xbf16>
    %slice3A_310 = vector.extract_strided_slice %convert_element_type3A_309 {offsets = [0, 0, 0], sizes = [32, 32, 512], strides = [1, 1, 1]} : vector<32x32x512xbf16> to vector<32x32x512xbf16>
    %reshape3A_311 = vector.shape_cast %slice3A_310 : vector<32x32x512xbf16> to vector<1024x512xbf16>
    %dot_general3A_312 = arith.constant dense<0.000000e+00> : vector<1024x512xf32>
    %dot_general3A_313 = tpu.matmul %reshape3A_311, %get3A_79, %dot_general3A_312 {dimension_numbers = #tpu.dot_dimension_numbers<[1], [0], [0], [1], [0, 0, 1, 1], [], []>, transpose_lhs_hint = false} : vector<1024x512xbf16>, vector<512x512xbf16>, vector<1024x512xf32> -> vector<1024x512xf32>
    %add3A_314 = vector.broadcast %get3A_82 : vector<1x512xf32> to vector<1024x512xf32>
    %add3A_315 = arith.addf %dot_general3A_313, %add3A_314 : vector<1024x512xf32>
    %reshape3A_316 = vector.shape_cast %add3A_315 : vector<1024x512xf32> to vector<32x32x512xf32>
    %add3A_317 = arith.addf %add3A_283, %reshape3A_316 : vector<32x32x512xf32>
    %max3A_318 = arith.constant 0.000000e+00 : f32
    %max3A_319 = vector.broadcast %max3A_318 : f32 to vector<32x32x512xf32>
    %max3A_320 = arith.maximumf %add3A_317, %max3A_319 : vector<32x32x512xf32>
    %convert_element_type3A_321 = arith.truncf %max3A_320 : vector<32x32x512xf32> to vector<32x32x512xbf16>
    %jit3A_322 = arith.constant 0 : i32
    %convert_element_type3A_323 = arith.sitofp %jit3A_322 : i32 to bf16
    %pad3A_324 = vector.broadcast %convert_element_type3A_323 : bf16 to vector<1x32x512xbf16>
    %pad3A_325 = tpu.concatenate %pad3A_324, %convert_element_type3A_321 in 0 : vector<1x32x512xbf16>, vector<32x32x512xbf16> -> vector<33x32x512xbf16>
    %pad3A_326 = vector.broadcast %convert_element_type3A_323 : bf16 to vector<1x32x512xbf16>
    %pad3A_327 = tpu.concatenate %pad3A_325, %pad3A_326 in 0 : vector<33x32x512xbf16>, vector<1x32x512xbf16> -> vector<34x32x512xbf16>
    %slice3A_328 = vector.extract_strided_slice %pad3A_327 {offsets = [0, 0, 0], sizes = [32, 32, 512], strides = [1, 1, 1]} : vector<34x32x512xbf16> to vector<32x32x512xbf16>
    %reshape3A_329 = vector.shape_cast %slice3A_328 : vector<32x32x512xbf16> to vector<1024x512xbf16>
    %slice3A_330 = vector.extract_strided_slice %pad3A_327 {offsets = [1, 0, 0], sizes = [32, 32, 512], strides = [1, 1, 1]} : vector<34x32x512xbf16> to vector<32x32x512xbf16>
    %reshape3A_331 = vector.shape_cast %slice3A_330 : vector<32x32x512xbf16> to vector<1024x512xbf16>
    %slice3A_332 = vector.extract_strided_slice %pad3A_327 {offsets = [2, 0, 0], sizes = [32, 32, 512], strides = [1, 1, 1]} : vector<34x32x512xbf16> to vector<32x32x512xbf16>
    %reshape3A_333 = vector.shape_cast %slice3A_332 : vector<32x32x512xbf16> to vector<1024x512xbf16>
    %concatenate3A_334 = tpu.concatenate %reshape3A_329, %reshape3A_331, %reshape3A_333 in 1 : vector<1024x512xbf16>, vector<1024x512xbf16>, vector<1024x512xbf16> -> vector<1024x1536xbf16>
    %dot_general3A_335 = arith.constant dense<0.000000e+00> : vector<1024x512xf32>
    %dot_general3A_336 = tpu.matmul %concatenate3A_334, %get3A_85, %dot_general3A_335 {dimension_numbers = #tpu.dot_dimension_numbers<[1], [0], [0], [1], [0, 0, 1, 1], [], []>, transpose_lhs_hint = false} : vector<1024x1536xbf16>, vector<1536x512xbf16>, vector<1024x512xf32> -> vector<1024x512xf32>
    %add3A_337 = vector.broadcast %get3A_88 : vector<1x512xf32> to vector<1024x512xf32>
    %add3A_338 = arith.addf %dot_general3A_336, %add3A_337 : vector<1024x512xf32>
    %reshape3A_339 = vector.shape_cast %add3A_338 : vector<1024x512xf32> to vector<32x32x512xf32>
    %max3A_340 = arith.constant 0.000000e+00 : f32
    %max3A_341 = vector.broadcast %max3A_340 : f32 to vector<32x32x512xf32>
    %max3A_342 = arith.maximumf %reshape3A_339, %max3A_341 : vector<32x32x512xf32>
    %convert_element_type3A_343 = arith.truncf %max3A_342 : vector<32x32x512xf32> to vector<32x32x512xbf16>
    %slice3A_344 = vector.extract_strided_slice %convert_element_type3A_343 {offsets = [0, 0, 0], sizes = [32, 32, 512], strides = [1, 1, 1]} : vector<32x32x512xbf16> to vector<32x32x512xbf16>
    %reshape3A_345 = vector.shape_cast %slice3A_344 : vector<32x32x512xbf16> to vector<1024x512xbf16>
    %dot_general3A_346 = arith.constant dense<0.000000e+00> : vector<1024x512xf32>
    %dot_general3A_347 = tpu.matmul %reshape3A_345, %get3A_91, %dot_general3A_346 {dimension_numbers = #tpu.dot_dimension_numbers<[1], [0], [0], [1], [0, 0, 1, 1], [], []>, transpose_lhs_hint = false} : vector<1024x512xbf16>, vector<512x512xbf16>, vector<1024x512xf32> -> vector<1024x512xf32>
    %add3A_348 = vector.broadcast %get3A_94 : vector<1x512xf32> to vector<1024x512xf32>
    %add3A_349 = arith.addf %dot_general3A_347, %add3A_348 : vector<1024x512xf32>
    %reshape3A_350 = vector.shape_cast %add3A_349 : vector<1024x512xf32> to vector<32x32x512xf32>
    %add3A_351 = arith.addf %add3A_317, %reshape3A_350 : vector<32x32x512xf32>
    %stack3A_352 = vector.shape_cast %add3A_351 : vector<32x32x512xf32> to vector<32x1x32x512xf32>
    %stack3A_353 = vector.shape_cast %add3A_351 : vector<32x32x512xf32> to vector<32x1x32x512xf32>
    %stack3A_354 = tpu.concatenate %stack3A_352, %stack3A_353 in 1 : vector<32x1x32x512xf32>, vector<32x1x32x512xf32> -> vector<32x2x32x512xf32>
    %reshape3A_355 = vector.shape_cast %stack3A_354 : vector<32x2x32x512xf32> to vector<64x32x512xf32>
    %convert_element_type3A_356 = arith.truncf %reshape3A_355 : vector<64x32x512xf32> to vector<64x32x512xbf16>
    %jit3A_357 = arith.constant 0 : i32
    %convert_element_type3A_358 = arith.sitofp %jit3A_357 : i32 to bf16
    %pad3A_359 = vector.broadcast %convert_element_type3A_358 : bf16 to vector<1x32x512xbf16>
    %pad3A_360 = tpu.concatenate %pad3A_359, %convert_element_type3A_356 in 0 : vector<1x32x512xbf16>, vector<64x32x512xbf16> -> vector<65x32x512xbf16>
    %pad3A_361 = vector.broadcast %convert_element_type3A_358 : bf16 to vector<1x32x512xbf16>
    %pad3A_362 = tpu.concatenate %pad3A_360, %pad3A_361 in 0 : vector<65x32x512xbf16>, vector<1x32x512xbf16> -> vector<66x32x512xbf16>
    %slice3A_363 = vector.extract_strided_slice %pad3A_362 {offsets = [0, 0, 0], sizes = [64, 32, 512], strides = [1, 1, 1]} : vector<66x32x512xbf16> to vector<64x32x512xbf16>
    %reshape3A_364 = vector.shape_cast %slice3A_363 : vector<64x32x512xbf16> to vector<2048x512xbf16>
    %slice3A_365 = vector.extract_strided_slice %pad3A_362 {offsets = [1, 0, 0], sizes = [64, 32, 512], strides = [1, 1, 1]} : vector<66x32x512xbf16> to vector<64x32x512xbf16>
    %reshape3A_366 = vector.shape_cast %slice3A_365 : vector<64x32x512xbf16> to vector<2048x512xbf16>
    %slice3A_367 = vector.extract_strided_slice %pad3A_362 {offsets = [2, 0, 0], sizes = [64, 32, 512], strides = [1, 1, 1]} : vector<66x32x512xbf16> to vector<64x32x512xbf16>
    %reshape3A_368 = vector.shape_cast %slice3A_367 : vector<64x32x512xbf16> to vector<2048x512xbf16>
    %concatenate3A_369 = tpu.concatenate %reshape3A_364, %reshape3A_366, %reshape3A_368 in 1 : vector<2048x512xbf16>, vector<2048x512xbf16>, vector<2048x512xbf16> -> vector<2048x1536xbf16>
    %dot_general3A_370 = arith.constant dense<0.000000e+00> : vector<2048x512xf32>
    %dot_general3A_371 = tpu.matmul %concatenate3A_369, %get3A_97, %dot_general3A_370 {dimension_numbers = #tpu.dot_dimension_numbers<[1], [0], [0], [1], [0, 0, 1, 1], [], []>, transpose_lhs_hint = false} : vector<2048x1536xbf16>, vector<1536x512xbf16>, vector<2048x512xf32> -> vector<2048x512xf32>
    %add3A_372 = vector.broadcast %get3A_100 : vector<1x512xf32> to vector<2048x512xf32>
    %add3A_373 = arith.addf %dot_general3A_371, %add3A_372 : vector<2048x512xf32>
    %reshape3A_374 = vector.shape_cast %add3A_373 : vector<2048x512xf32> to vector<64x32x512xf32>
    %convert_element_type3A_375 = arith.truncf %reshape3A_374 : vector<64x32x512xf32> to vector<64x32x512xbf16>
    %jit3A_376 = arith.constant 0 : i32
    %convert_element_type3A_377 = arith.sitofp %jit3A_376 : i32 to bf16
    %pad3A_378 = vector.broadcast %convert_element_type3A_377 : bf16 to vector<1x32x512xbf16>
    %pad3A_379 = tpu.concatenate %pad3A_378, %convert_element_type3A_375 in 0 : vector<1x32x512xbf16>, vector<64x32x512xbf16> -> vector<65x32x512xbf16>
    %pad3A_380 = vector.broadcast %convert_element_type3A_377 : bf16 to vector<1x32x512xbf16>
    %pad3A_381 = tpu.concatenate %pad3A_379, %pad3A_380 in 0 : vector<65x32x512xbf16>, vector<1x32x512xbf16> -> vector<66x32x512xbf16>
    %slice3A_382 = vector.extract_strided_slice %pad3A_381 {offsets = [0, 0, 0], sizes = [64, 32, 512], strides = [1, 1, 1]} : vector<66x32x512xbf16> to vector<64x32x512xbf16>
    %reshape3A_383 = vector.shape_cast %slice3A_382 : vector<64x32x512xbf16> to vector<2048x512xbf16>
    %slice3A_384 = vector.extract_strided_slice %pad3A_381 {offsets = [1, 0, 0], sizes = [64, 32, 512], strides = [1, 1, 1]} : vector<66x32x512xbf16> to vector<64x32x512xbf16>
    %reshape3A_385 = vector.shape_cast %slice3A_384 : vector<64x32x512xbf16> to vector<2048x512xbf16>
    %slice3A_386 = vector.extract_strided_slice %pad3A_381 {offsets = [2, 0, 0], sizes = [64, 32, 512], strides = [1, 1, 1]} : vector<66x32x512xbf16> to vector<64x32x512xbf16>
    %reshape3A_387 = vector.shape_cast %slice3A_386 : vector<64x32x512xbf16> to vector<2048x512xbf16>
    %concatenate3A_388 = tpu.concatenate %reshape3A_383, %reshape3A_385, %reshape3A_387 in 1 : vector<2048x512xbf16>, vector<2048x512xbf16>, vector<2048x512xbf16> -> vector<2048x1536xbf16>
    %dot_general3A_389 = arith.constant dense<0.000000e+00> : vector<2048x512xf32>
    %dot_general3A_390 = tpu.matmul %concatenate3A_388, %get3A_103, %dot_general3A_389 {dimension_numbers = #tpu.dot_dimension_numbers<[1], [0], [0], [1], [0, 0, 1, 1], [], []>, transpose_lhs_hint = false} : vector<2048x1536xbf16>, vector<1536x512xbf16>, vector<2048x512xf32> -> vector<2048x512xf32>
    %add3A_391 = vector.broadcast %get3A_106 : vector<1x512xf32> to vector<2048x512xf32>
    %add3A_392 = arith.addf %dot_general3A_390, %add3A_391 : vector<2048x512xf32>
    %reshape3A_393 = vector.shape_cast %add3A_392 : vector<2048x512xf32> to vector<64x32x512xf32>
    %max3A_394 = arith.constant 0.000000e+00 : f32
    %max3A_395 = vector.broadcast %max3A_394 : f32 to vector<64x32x512xf32>
    %max3A_396 = arith.maximumf %reshape3A_393, %max3A_395 : vector<64x32x512xf32>
    %convert_element_type3A_397 = arith.truncf %max3A_396 : vector<64x32x512xf32> to vector<64x32x512xbf16>
    %jit3A_398 = arith.constant 0 : i32
    %convert_element_type3A_399 = arith.sitofp %jit3A_398 : i32 to bf16
    %pad3A_400 = vector.broadcast %convert_element_type3A_399 : bf16 to vector<1x32x512xbf16>
    %pad3A_401 = tpu.concatenate %pad3A_400, %convert_element_type3A_397 in 0 : vector<1x32x512xbf16>, vector<64x32x512xbf16> -> vector<65x32x512xbf16>
    %pad3A_402 = vector.broadcast %convert_element_type3A_399 : bf16 to vector<1x32x512xbf16>
    %pad3A_403 = tpu.concatenate %pad3A_401, %pad3A_402 in 0 : vector<65x32x512xbf16>, vector<1x32x512xbf16> -> vector<66x32x512xbf16>
    %slice3A_404 = vector.extract_strided_slice %pad3A_403 {offsets = [0, 0, 0], sizes = [64, 32, 512], strides = [1, 1, 1]} : vector<66x32x512xbf16> to vector<64x32x512xbf16>
    %reshape3A_405 = vector.shape_cast %slice3A_404 : vector<64x32x512xbf16> to vector<2048x512xbf16>
    %slice3A_406 = vector.extract_strided_slice %pad3A_403 {offsets = [1, 0, 0], sizes = [64, 32, 512], strides = [1, 1, 1]} : vector<66x32x512xbf16> to vector<64x32x512xbf16>
    %reshape3A_407 = vector.shape_cast %slice3A_406 : vector<64x32x512xbf16> to vector<2048x512xbf16>
    %slice3A_408 = vector.extract_strided_slice %pad3A_403 {offsets = [2, 0, 0], sizes = [64, 32, 512], strides = [1, 1, 1]} : vector<66x32x512xbf16> to vector<64x32x512xbf16>
    %reshape3A_409 = vector.shape_cast %slice3A_408 : vector<64x32x512xbf16> to vector<2048x512xbf16>
    %concatenate3A_410 = tpu.concatenate %reshape3A_405, %reshape3A_407, %reshape3A_409 in 1 : vector<2048x512xbf16>, vector<2048x512xbf16>, vector<2048x512xbf16> -> vector<2048x1536xbf16>
    %dot_general3A_411 = arith.constant dense<0.000000e+00> : vector<2048x263xf32>
    %dot_general3A_412 = tpu.matmul %concatenate3A_410, %get3A_109, %dot_general3A_411 {dimension_numbers = #tpu.dot_dimension_numbers<[1], [0], [0], [1], [0, 0, 1, 1], [], []>, transpose_lhs_hint = false} : vector<2048x1536xbf16>, vector<1536x263xbf16>, vector<2048x263xf32> -> vector<2048x263xf32>
    %add3A_413 = vector.broadcast %get3A_112 : vector<1x263xf32> to vector<2048x263xf32>
    %add3A_414 = arith.addf %dot_general3A_412, %add3A_413 : vector<2048x263xf32>
    %reshape3A_415 = vector.shape_cast %add3A_414 : vector<2048x263xf32> to vector<64x32x263xf32>
    %swap3A = arith.constant 0 : index
    %swap3A_416 = arith.constant 0 : index
    %swap3A_417 = arith.constant 0 : index
    %swap3A_418 = vector.load %arg38[%swap3A, %swap3A_416, %swap3A_417] : memref<64x32x263xf32, #tpu.memory_space<vmem>>, vector<64x32x263xf32>
    tpu.vector_store %arg38[%swap3A, %swap3A_416, %swap3A_417], %reshape3A_415 {strides = array<i32>} : memref<64x32x263xf32, #tpu.memory_space<vmem>>, vector<64x32x263xf32>,
    %reshape3A_419 = vector.shape_cast %get3A_2 : vector<16x32x512xf32> to vector<512x512xf32>
    %slice3A_420 = vector.extract_strided_slice %reshape3A_419 {offsets = [0, 0], sizes = [512, 256], strides = [1, 1]} : vector<512x512xf32> to vector<512x256xf32>
    %sub3A = arith.subf %get3A_5, %slice3A_420 : vector<512x256xf32>
    %integer_pow3A = arith.mulf %sub3A, %sub3A : vector<512x256xf32>
    %reduce_sum3A = vector.shape_cast %integer_pow3A : vector<512x256xf32> to vector<1x512x256xf32>
    %reduce_sum3A_421 = arith.constant dense<0.000000e+00> : vector<1xf32>
    %reduce_sum3A_422 = vector.multi_reduction <add>, %reduce_sum3A, %reduce_sum3A_421 [1, 2] : vector<1x512x256xf32> to vector<1xf32>
    %reduce_sum3A_423 = vector.shape_cast %reduce_sum3A_422 : vector<1xf32> to vector<1x1x1xf32>
    %reduce_sum3A_424 = vector.extract %reduce_sum3A_423[0, 0, 0] : f32 from vector<1x1x1xf32>
    %div3A = arith.constant 1.310720e+05 : f32
    %div3A_425 = arith.divf %reduce_sum3A_424, %div3A : f32
    %slice3A_426 = vector.extract_strided_slice %reshape3A_419 {offsets = [0, 256], sizes = [512, 256], strides = [1, 1]} : vector<512x512xf32> to vector<512x256xf32>
    %sub3A_427 = arith.subf %get3A_8, %slice3A_426 : vector<512x256xf32>
    %integer_pow3A_428 = arith.mulf %sub3A_427, %sub3A_427 : vector<512x256xf32>
    %reduce_sum3A_429 = vector.shape_cast %integer_pow3A_428 : vector<512x256xf32> to vector<1x512x256xf32>
    %reduce_sum3A_430 = arith.constant dense<0.000000e+00> : vector<1xf32>
    %reduce_sum3A_431 = vector.multi_reduction <add>, %reduce_sum3A_429, %reduce_sum3A_430 [1, 2] : vector<1x512x256xf32> to vector<1xf32>
    %reduce_sum3A_432 = vector.shape_cast %reduce_sum3A_431 : vector<1xf32> to vector<1x1x1xf32>
    %reduce_sum3A_433 = vector.extract %reduce_sum3A_432[0, 0, 0] : f32 from vector<1x1x1xf32>
    %div3A_434 = arith.constant 1.310720e+05 : f32
    %div3A_435 = arith.divf %reduce_sum3A_433, %div3A_434 : f32
    %add3A_436 = arith.addf %div3A_425, %div3A_435 : f32
    %reshape3A_437 = vector.broadcast %add3A_436 : f32 to vector<1x1xf32>
    %swap3A_438 = arith.constant 0 : index
    %swap3A_439 = arith.constant 0 : index
    %swap3A_440 = vector.load %arg39[%swap3A_438, %swap3A_439] : memref<1x1xf32, #tpu.memory_space<vmem>>, vector<1x1xf32>
    tpu.vector_store %arg39[%swap3A_438, %swap3A_439], %reshape3A_437 {strides = array<i32>} : memref<1x1xf32, #tpu.memory_space<vmem>>, vector<1x1xf32>,
    %iota3A = tpu.iota {dimensions = array<i32: 1>} : vector<512x512xi32>
    %broadcast_in_dim3A = vector.shape_cast %get3A_10 : vector<512xi32> to vector<512x1xi32>
    %eq3A = vector.broadcast %broadcast_in_dim3A : vector<512x1xi32> to vector<512x512xi32>
    %eq3A_441 = arith.cmpi eq, %iota3A, %eq3A : vector<512x512xi32>
    %convert_element_type3A_442 = arith.extui %eq3A_441 : vector<512x512xi1> to vector<512x512xi32>
    %convert_element_type3A_443 = arith.sitofp %convert_element_type3A_442 : vector<512x512xi32> to vector<512x512xf32>
    %reduce_sum3A_444 = arith.constant dense<0.000000e+00> : vector<512xf32>
    %reduce_sum3A_445 = vector.multi_reduction <add>, %convert_element_type3A_443, %reduce_sum3A_444 [0] : vector<512x512xf32> to vector<512xf32>
    %div3A_446 = arith.constant 5.120000e+02 : f32
    %div3A_447 = vector.broadcast %div3A_446 : f32 to vector<512xf32>
    %div3A_448 = arith.divf %reduce_sum3A_445, %div3A_447 : vector<512xf32>
    %add3A_449 = arith.constant 1.000000e-07 : f32
    %add3A_450 = vector.broadcast %add3A_449 : f32 to vector<512xf32>
    %add3A_451 = arith.addf %div3A_448, %add3A_450 : vector<512xf32>
    %log3A = math.log %add3A_451 : vector<512xf32>
    %mul3A = arith.mulf %div3A_448, %log3A : vector<512xf32>
    %reduce_sum3A_452 = vector.shape_cast %mul3A : vector<512xf32> to vector<1x512xf32>
    %reduce_sum3A_453 = arith.constant dense<0.000000e+00> : vector<1xf32>
    %reduce_sum3A_454 = vector.multi_reduction <add>, %reduce_sum3A_452, %reduce_sum3A_453 [1] : vector<1x512xf32> to vector<1xf32>
    %reduce_sum3A_455 = vector.shape_cast %reduce_sum3A_454 : vector<1xf32> to vector<1x1xf32>
    %reduce_sum3A_456 = vector.extract %reduce_sum3A_455[0, 0] : f32 from vector<1x1xf32>
    %neg3A = arith.constant 0.000000e+00 : f32
    %neg3A_457 = arith.subf %neg3A, %reduce_sum3A_456 : f32
    %exp3A = math.exp %neg3A_457 : f32
    %reshape3A_458 = vector.broadcast %exp3A : f32 to vector<1x1xf32>
    %swap3A_459 = arith.constant 0 : index
    %swap3A_460 = arith.constant 0 : index
    %swap3A_461 = vector.load %arg40[%swap3A_459, %swap3A_460] : memref<1x1xf32, #tpu.memory_space<vmem>>, vector<1x1xf32>
    tpu.vector_store %arg40[%swap3A_459, %swap3A_460], %reshape3A_458 {strides = array<i32>} : memref<1x1xf32, #tpu.memory_space<vmem>>, vector<1x1xf32>,
    return
  }
}

</mosaic_0001>

<sc_bundles>
// kernel: kernel.6.cloned.1.call-start
scs
__scs_entry_jumppad:
0x0: {  	(pc) =	sbr.rel $0x88, $3  }
0x1: {  	(tag) =	ssettag $0x0;
	lr =	simm.s32 $0x1  }
0x2: {  	[smem:$0x3F3C] =	sst lr;
	_ =	strace $0xD0000000  }
0x3: {  	_ = 	snop  }
0x4: {  	_ = 	snop  }
0x5: {  	_ = 	snop  }
0x6: {  	_ = 	snop  }
0x7: {  	_ = 	snop  }
__scs_overlays_trampoline_lowered:
0x8: {  	[smem:$0x3F4B] =	sst s0  }
0x9: {  	[smem:$0x3F4C] =	sst s1  }
0xa: {  	[smem:$0x3F4D] =	sst s2  }
0xb: {  	[smem:$0x3F4E] =	sst s3  }
0xc: {  	[smem:$0x3F4F] =	sst s4  }
0xd: {  	[smem:$0x3F50] =	sst s5  }
0xe: {  	[smem:$0x3F51] =	sst s6  }
0xf: {  	[smem:$0x3F52] =	sst s7  }
0x10: {  	[smem:$0x3F53] =	sst s8  }
0x11: {  	[smem:$0x3F54] =	sst s9;
	s0 =	simm.s32 @!p0 $0x0  }
0x12: {  	s1 =	sld [smem:$0x3F3A];
	s0 =	simm.s32 @p0 $0x1  }
0x13: {  	[smem:$0x3F55] =	sst s0;
	s0 =	simm.s32 @!p1 $0x0  }
0x14: {  	s2 =	sld [smem:$0x3F39];
	s0 =	simm.s32 @p1 $0x1  }
0x15: {  	[smem:$0x3F56] =	sst s0;
	s0 =	simm.s32 @!p2 $0x0  }
0x16: {  	s3 =	sld [smem:$0x3FDB];
	s0 =	simm.s32 @p2 $0x1  }
0x17: {  	s4 =	simm.s32 $0x1BF5;
	[smem:$0x3F58] =	sst s0  }
0x18: {  	s0 =	sld [smem:$0x3F3B];
	_ =	swait.ge [sflag:s4], $0x0  }
0x19: {  	s7 =	sld [smem:$0x3F3C]  }
0x1a: {  	s8 =	sadd.s32 $0xFFFFE003, lr  }
0x1b: {  	s9 =	sadd.s32 $0xFFFFFEF7, lr;
	s5 =	simm.s32 $0xFFFFFFFF;
	p2 =	slt.u32 s8, $0xFFFFF086  }
0x1c: {  	p1 =	slt.u32 s9, $0xF7A;
	s5 =	simm.s32 @!p2 $0x0  }
0x1d: {  	s5 =	simm.s32 @p1 $0x1;
	p0 =	seq.s32 s7, s2  }
0x1e: {  	s7 =	smul.u32 @!p0 $0xF7A, s2;
	p2 =	seq.s32 @!p0 s5, $0x0  }
0x1f: {  	s9 =	smul.u32 $0xF7A, s1;
	s8 =	simm.s32 @!p0 $0x1BF5;
	p2 =	por !p2, p0  }
0x20: {  	[sflag:s8] =	ssyncset.s32 @!p0 $0xFFFFF086;
	s6 =	sadd.s32 @!p0 s3, s7;
	s7 =	simm.s32 @!p0 $0x108  }
0x21: {  	s3 =	sadd.s32 s3, s9;
	s6 =	sadd.s32 @!p0 $0x88, s6;
	s7 =	simm.s32 @p2 $0x1082  }
0x22: {  	[simem:s7], [sflag:s8] =	dma.local @!p0 [hbm:s6], $0xF7A  }
0x23: {  	s9 =	sor.u32 $0xD0000000, s2;
	s6 =	simm.s32 $0x108;
	_ =	swait.ge @!p0 [sflag:s8], $0x0  }
0x24: {  	s3 =	sadd.s32 $0x88, s3;
	s6 =	simm.s32 @!p1 $0x1082;
	[sflag:s4] =	ssyncset.s32 $0xFFFFF086  }
0x25: {  	[simem:s6], [sflag:s4] =	dma.local [hbm:s3], $0xF7A  }
0x26: {  	[smem:$0x3F3C] =	sst s1;
	(tag) =	ssettag s2;
	_ =	strace s9  }
0x27: {  	s1 =	sld [smem:$0x3F4C]  }
0x28: {  	s2 =	sld [smem:$0x3F4D]  }
0x29: {  	s4 =	sld [smem:$0x3F4F]  }
0x2a: {  	p0 =	seq.s32 s5, $0x0;
	s5 =	sld [smem:$0x3F50]  }
0x2b: {  	s6 =	sld [smem:$0x3F51]  }
0x2c: {  	s7 =	sld [smem:$0x3F52]  }
0x2d: {  	s3 =	simm.s32 $0x108;
	s8 =	sld [smem:$0x3F53]  }
0x2e: {  	s3 =	simm.s32 @!p0 $0x1082;
	s9 =	sld [smem:$0x3F54]  }
0x2f: {  	lr =	sadd.s32 s0, s3;
	s0 =	sld [smem:$0x3F4B]  }
0x30: {  	s3 =	sld [smem:$0x3F4E]  }
0x31: {  	[smem:$0x3F57] =	sst s10  }
0x32: {  	s10 =	sld [smem:$0x3F55];
	_ =	sdelay $0x3  }
0x33: {  	p0 =	seq.s32 s10, $0x1;
	s10 =	sld [smem:$0x3F57];
	_ =	sdelay $0x3  }
0x34: {  	[smem:$0x3F57] =	sst s10  }
0x35: {  	s10 =	sld [smem:$0x3F56];
	_ =	sdelay $0x3  }
0x36: {  	p1 =	seq.s32 s10, $0x1;
	s10 =	sld [smem:$0x3F57];
	_ =	sdelay $0x3  }
0x37: {  	[smem:$0x3F57] =	sst s10  }
0x38: {  	s10 =	sld [smem:$0x3F58]  }
0x39: {  	_ = 	snop;
	(pc) =	sbr.ind lr, $3  }
0x3a: {  	_ = 	snop  }
0x3b: {  	_ = 	snop  }
0x3c: {  	p2 =	seq.s32 s10, $0x1;
	s10 =	sld [smem:$0x3F57]  }
0x3d: {  	_ =	shalt  }
0x3e: {  	_ =	shalt  }
0x3f: {  	_ =	shalt  }
0x40: {  	_ =	shalt  }
0x41: {  	_ =	shalt  }
0x42: {  	_ =	shalt  }
0x43: {  	_ =	shalt  }
0x44: {  	_ =	shalt  }
0x45: {  	_ =	shalt  }
0x46: {  	_ =	shalt  }
0x47: {  	_ =	shalt  }
0x48: {  	_ =	shalt  }
0x49: {  	_ =	shalt  }
0x4a: {  	_ =	shalt  }
0x4b: {  	_ =	shalt  }
0x4c: {  	_ =	shalt  }
0x4d: {  	_ =	shalt  }
0x4e: {  	_ =	shalt  }
0x4f: {  	_ =	shalt  }
0x50: {  	_ =	shalt  }
0x51: {  	_ =	shalt  }
0x52: {  	_ =	shalt  }
0x53: {  	_ =	shalt  }
0x54: {  	_ =	shalt  }
0x55: {  	_ =	shalt  }
0x56: {  	_ =	shalt  }
0x57: {  	_ =	shalt  }
0x58: {  	_ =	shalt  }
0x59: {  	_ =	shalt  }
0x5a: {  	_ =	shalt  }
0x5b: {  	_ =	shalt  }
0x5c: {  	_ =	shalt  }
0x5d: {  	_ =	shalt  }
0x5e: {  	_ =	shalt  }
0x5f: {  	_ =	shalt  }
0x60: {  	_ =	shalt  }
0x61: {  	_ =	shalt  }
0x62: {  	_ =	shalt  }
0x63: {  	_ =	shalt  }
0x64: {  	_ =	shalt  }
0x65: {  	_ =	shalt  }
0x66: {  	_ =	shalt  }
0x67: {  	_ =	shalt  }
0x68: {  	_ =	shalt  }
0x69: {  	_ =	shalt  }
0x6a: {  	_ =	shalt  }
0x6b: {  	_ =	shalt  }
0x6c: {  	_ =	shalt  }
0x6d: {  	_ =	shalt  }
0x6e: {  	_ =	shalt  }
0x6f: {  	_ =	shalt  }
0x70: {  	_ =	shalt  }
0x71: {  	_ =	shalt  }
0x72: {  	_ =	shalt  }
0x73: {  	_ =	shalt  }
0x74: {  	_ =	shalt  }
0x75: {  	_ =	shalt  }
0x76: {  	_ =	shalt  }
0x77: {  	_ =	shalt  }
0x78: {  	_ =	shalt  }
0x79: {  	_ =	shalt  }
0x7a: {  	_ =	shalt  }
0x7b: {  	_ =	shalt  }
0x7c: {  	_ =	shalt  }
0x7d: {  	_ =	shalt  }
0x7e: {  	_ =	shalt  }
0x7f: {  	_ =	shalt  }
0x80: {  	_ =	shalt  }
0x81: {  	_ =	shalt  }
0x82: {  	_ =	shalt  }
0x83: {  	_ =	shalt  }
0x84: {  	_ =	shalt  }
0x85: {  	_ =	shalt  }
0x86: {  	_ =	shalt  }
0x87: {  	_ =	shalt  }
.Lfunc_end0:
.L_simem_size_0:
called_computation_lowered:
.L_overlay_start_0:
0x88: {  	s2 =	sld [smem:$0x3FD9]  }
0x89: {  	s3 =	sld [smem:$0x3FFE];
	_ =	sdelay $0x1  }
0x8a: {  	s1 =	srdreg.scid  }
0x8b: {  	s0 =	sand.u32 $0x1, s1  }
0x8c: {  	s17 =	sshll.u32 s0, $0xA;
	s2 =	sadd.s32 s3, s2  }
0x8d: {  	s2 =	sadd.s32 s2, s17  }
0x8e: {  	[smem:$0x3F63] =	sst s2  }
0x8f: {  	_ = 	snop  }
0x90: {  	s2 =	sld [smem:$0x3FC8]  }
0x91: {  	s18 =	sld [smem:$0x3FC7];
	(tm) =	ssettm $0x1  }
0x92: {  	s4 =	sld [smem:$0x3FFB];
	_ =	sdelay $0x3  }
0x93: {  	_ =	strace s4  }
0x94: {  	s4 =	sld [smem:$0x3FFC];
	_ =	sdelay $0x3  }
0x95: {  	_ =	strace s4  }
0x96: {  	s4 =	sld [smem:$0x3FFD];
	_ =	sdelay $0x3  }
0x97: {  	_ =	strace s4  }
0x98: {  	_ =	strace $0x8FFFFFFF  }
0x99: {  	s19 =	sld [smem:$0x3FDB];
	_ =	sdelay $0x1  }
0x9a: {  	s5 =	simm.s32 $_scs_section_size  }
0x9b: {  	s6 =	simm.s32 $_size__tile_overlayer_lowered;
	s7 =	simm.s32 $_tile_overlayer_lowered  }
0x9c: {  	s22 =	simm.s32 $0x1BFF;
	s21 =	sshll.u32 s7, $0x1;
	s4 =	sadd.s32 s5, s19  }
0x9d: {  	s8 =	simm.s32 $0x0;
	s20 =	sshll.u32 s6, $0x1;
	s6 =	sadd.s32 s21, s4  }
0x9e: {  	[timem:s8], [sflag:s22] =	dma.local [hbm:s6], s20  }
0x9f: {  	_ =	swait.ge [sflag:s22], s20  }
0xa0: {  	s5 =	ssub.s32 $0x0, s20;
	[sflag:s22] =	ssyncset.done $0x0  }
0xa1: {  	[sflag:s22] =	ssyncadd.s32 s5;
	_ =	sdelay $0x1  }
0xa2: {  	s23 =	simm.s32 $0x1B8B  }
0xa3: {  	_ =	swait.ge [sflag:s23], $0x1  }
0xa4: {  	[sflag:s23] =	ssyncset.done $0x0  }
0xa5: {  	s25 =	simm.s32 $0x1B8E;
	s24 =	sld [smem:$0x3FFE];
	[sflag:s23] =	ssyncadd.s32 $0xFFFFFFFF  }
0xa6: {  	s26 =	simm.s32 $execute0_lowered;
	[smem:$0x3FD2] =	sst s25  }
0xa7: {  	s6 =	sshll.u32 s26, $0x1;
	_ =	strace $0x80000046;
	[dreg:$0x1] =	wrdreg $0xFFFFFFFF  }
0xa8: {  	s28 =	simm.s32 $_size_execute0_lowered;
	s4 =	sadd.s32 s4, s6;
	[dreg:$0x0] =	wrdreg $0x0  }
0xa9: {  	s6 =	sshll.u32 s28, $0x1;
	[dreg:$0x2] =	wrdreg s4  }
0xaa: {  	[dreg:$0x3] =	wrdreg s6  }
0xab: {  	[dreg:$0x4] =	wrdreg $0xC0  }
0xac: {  	_ =	task [dreg:s8], $0x5FFFF  }
0xad: {  	[dreg:$0x1] =	wrdreg $0xFFFFFFFF  }
0xae: {  	[dreg:$0x0] =	wrdreg $0x60  }
0xaf: {  	[dreg:$0x2] =	wrdreg s18  }
0xb0: {  	[dreg:$0x3] =	wrdreg s2  }
0xb1: {  	[dreg:$0x4] =	wrdreg s24  }
0xb2: {  	[dreg:$0x5] =	wrdreg $0x9  }
0xb3: {  	_ =	task.clear_ibuf [dreg:s8], $0x6FFFF;
	_ =	strace $0x90000046  }
0xb4: {  	s29 =	simm.s32 $0x9;
	_ =	strace $0x80000048  }
0xb5: {  	_ =	swait.ge [sflag:s29], $0x1  }
0xb6: {  	[sflag:s29] =	ssyncadd.s32 $0xFFFFFFFF  }
0xb7: {  	_ =	strace $0x90000048  }
0xb8: {  	_ =	sfence  }
0xb9: {  	s30 =	sld [smem:$0x0];
	_ =	sdelay $0x2  }
0xba: {  	s31 =	sshll.u32 s1, $0xD;
	s1 =	sshrl.u32 s1, $0x2  }
0xbb: {  	s3 =	sand.u32 $0x4000, s31;
	s1 =	sadd.s32 s1, s30  }
0xbc: {  	s0 =	sor.u32 s3, s0;
	s1 =	sshll.u32 s1, $0x11  }
0xbd: {  	s0 =	sor.u32 s1, s0  }
0xbe: {  	s0 =	sadd.s32 $0x8F2B, s0  }
0xbf: {  	[sflag:s0] =	ssyncadd.remote.s32 $0x1  }
0xc0: {  	_ =	sfence.sel $0xFFFF  }
0xc1: {  	[dreg:$0x0] =	wrdreg $0xFFFFFFFF;
	(pc) =	sbr.abs _section_cstart, $3  }
0xc2: {  	[dreg:$0x1] =	wrdreg $0xFFFFFFFF  }
0xc3: {  	_ =	task.clear_ibuf [dreg:s8], $0x2FFFF;
	_ =	strace $0x9FFFFFFF  }
0xc4: {  	(tm) =	ssettm $0x7FFFFFFF  }
0xc5: {  	_ =	shalt  }
tec
execute0_lowered:
.L_overlay_start_1:
0x0: {  	(tag) =	ssettag $0x1  }
0x1: {  	s1 =	rddreg [dreg:$0x0]  }
0x2: {  	s2 =	rddreg [dreg:$0x1]  }
0x3: {  	s5 =	rddreg [dreg:$0x2]  }
0x4: {  	s0 =	rddreg [dreg:$0x3];
	s6 =	srdreg.scid  }
0x5: {  	s4 =	simm.s32 $0x0;
	s3 =	stileid.u32;
	s11 =	simm.s32 $0x80  }
0x6: {  	s12 =	simm.s32 $0x880;
	s13 =	simm.s32 $0x1;
	s6 =	sand.u32 $0x1, s6  }
0x7: {  	[smem:$0x7FF] =	sst s4;
	s7 =	sshll.u32 s3, $0x5;
	s8 =	sshll.u32 s6, $0x4  }
0x8: {  	_ =	strace $0x80000047;
	s6 =	ssub.s32 $0x2, s6;
	s7 =	sor.u32 s8, s7  }
0x9: {  	s9 =	sshrl.u32 s6, $0x1;
	s8 =	sshrl.u32 s7, $0x3;
	s7 =	sshll.u32 s7, $0x5  }
0xa: {  	v2 =	vlaneseq.u32;
	s9 =	ssub.s32 s6, s9;
	s8 =	sadd.s32 s8, s5;
	s10 =	sadd.s32 s7, s5  }
0xb: {  	vm0 =	vmmov $0xffff;
	v1 =	vshrl.u32 v2, $0x3;
	s9 =	smax.u32 s9, $0x1;
	s5 =	sadd.s32 $0xE600, s8;
	s6 =	sadd.s32 $0xE800, s10  }
0xc: {  	v0 =	vand.u32 $0x7, v2;
	v2 =	vor.u32 $0x8, v2;
	v1 =	vmul.u32 $0x8, v1;
	s7 =	sadd.s32 $0x4A200, s8;
	s8 =	sadd.s32 $0x12800, s10;
	s10 =	simm.s32 $0x2  }
.LBB2_1:
0xd: {  	[tilespmem:s4], [sflag:$0x2] =	stream.linear.gather [hbm4b:s5+s4], $0x10, $0x38;
	[tilespmem:$0x1080] =	vst v63  }
0xe: {  	_ =	swait.ge [sflag:s10], $0x10  }
0xf: {  	[sflag:s10] =	ssyncset.done $0x0  }
0x10: {  	[sflag:s10] =	ssyncadd.s32 $0xFFFFFFF0  }
0x11: {  	v3 =	vld [tilespmem:$0x0];
	_ =	sdelay $0x4  }
0x12: {  	v4 =	vshll.u32 v3, $0x1  }
0x13: {  	v3 =	vand.u32 $0x7, v3;
	v4 =	vand.u32 $0xFFFFFFF0, v4  }
0x14: {  	v3 =	vor.u32 v3, v4  }
0x15: {  	v4 =	vperm.xlane v3, v0;
	_ =	sdelay $0x1  }
0x16: {  	v3 =	vperm.xlane v3, v2;
	v4 =	vadd.s32 v1, v4;
	_ =	sdelay $0x1  }
0x17: {  	v3 =	vadd.s32 v1, v3;
	_ =	sdelay $0x2  }
0x18: {  	[tilespmem:s11], [sflag:$0x1] =	stream.indirect_vreg.gather [hbm4b:s1+s4], $0x80, v4, vm0, $0xb8;
	[tilespmem:$0x1080] =	vst v63  }
0x19: {  	_ = 	snop  }
0x1a: {  	[tilespmem:s12], [sflag:$0x1] =	stream.indirect_vreg.gather [hbm4b:s1+s4], $0x80, v3, vm0, $0xb8;
	[tilespmem:$0x1080] =	vst v63  }
0x1b: {  	_ =	swait.ge [sflag:s13], $0x1000  }
0x1c: {  	[sflag:s13] =	ssyncset.done $0x0  }
0x1d: {  	[sflag:s13] =	ssyncadd.s32 $0xFFFFF000  }
0x1e: {  	[hbm4b:s6+s4] =	stream.linear.scatter [tilespmem:s11], [sflag:$0x2], $0x1000, $0x38;
	[tilespmem:$0x1080] =	vst v63  }
0x1f: {  	_ =	swait.ge [sflag:s10], $0x1000  }
0x20: {  	[sflag:s10] =	ssyncset.done $0x0  }
0x21: {  	[sflag:s10] =	ssyncadd.s32 $0xFFFFF000  }
0x22: {  	[tilespmem:s4], [sflag:$0x2] =	stream.linear.gather [hbm4b:s7+s4], $0x10, $0x38;
	[tilespmem:$0x1080] =	vst v63  }
0x23: {  	_ =	swait.ge [sflag:s10], $0x10  }
0x24: {  	[sflag:s10] =	ssyncset.done $0x0  }
0x25: {  	[sflag:s10] =	ssyncadd.s32 $0xFFFFFFF0  }
0x26: {  	v3 =	vld [tilespmem:$0x0];
	_ =	sdelay $0x4  }
0x27: {  	v63 =	vshll.u32 v3, $0x1  }
0x28: {  	v3 =	vand.u32 $0x7, v3;
	v4 =	vand.u32 $0xFFFFFFF0, v63  }
0x29: {  	v3 =	vor.u32 v3, v4  }
0x2a: {  	v4 =	vperm.xlane v3, v0;
	_ =	sdelay $0x1  }
0x2b: {  	v3 =	vperm.xlane v3, v2;
	v4 =	vadd.s32 v1, v4;
	_ =	sdelay $0x1  }
0x2c: {  	v3 =	vadd.s32 v1, v3;
	_ =	sdelay $0x2  }
0x2d: {  	[tilespmem:s11], [sflag:$0x1] =	stream.indirect_vreg.gather [hbm4b:s2+s4], $0x80, v4, vm0, $0xb8;
	[tilespmem:$0x1080] =	vst v63  }
0x2e: {  	_ = 	snop  }
0x2f: {  	[tilespmem:s12], [sflag:$0x1] =	stream.indirect_vreg.gather [hbm4b:s2+s4], $0x80, v3, vm0, $0xb8;
	[tilespmem:$0x1080] =	vst v63  }
0x30: {  	_ =	swait.ge [sflag:s13], $0x1000  }
0x31: {  	p0 =	sne.s32 s9, $0x1;
	[sflag:s13] =	ssyncset.done $0x0  }
.Ltmp0:
0x32: {  	[sflag:s13] =	ssyncadd.s32 $0xFFFFF000;
	(pc) =	sbr.rel @p0 .LBB2_1-.Ltmp0, $4  }
0x33: {  	[hbm4b:s8+s4] =	stream.linear.scatter [tilespmem:s11], [sflag:$0x2], $0x1000, $0x38;
	[tilespmem:$0x1080] =	vst v63  }
0x34: {  	_ =	swait.ge [sflag:s10], $0x1000  }
0x35: {  	[sflag:s10] =	ssyncset.done $0x0  }
0x36: {  	s9 =	sadd.s32 $0xFFFFFFFF, s9;
	[sflag:s10] =	ssyncadd.s32 $0xFFFFF000  }
0x37: {  	_ =	sfence.sel $0x180000  }
0x38: {  	[bflag:$0x0] =	sbarrier.arrive $0xFFFF  }
0x39: {  	p0 =	sne.s32 s3, $0x0;
	_ =	strace $0x90000047  }
0x3a: {  	s0 =	sadd.s32 @!p0 $0x100000, s0;
	[bflag:$0x2] =	sbarrier.arrive $0xFFFF  }
0x3b: {  	[sflag:s0] =	ssyncadd.tile.s32 @!p0 $0x1;
	_ =	shalt  }
.Lfunc_end2:
_tile_overlayer_lowered:
.L_overlay_start_2:
0x3c: {  	(tag) =	ssettag $0x2  }
0x3d: {  	s0 =	rddreg [dreg:$0x0];
	s2 =	stileid.u32  }
0x3e: {  	s1 =	rddreg [dreg:$0x1];
	p0 =	sne.s32 s2, $0x0  }
0x3f: {  	s3 =	rddreg [dreg:$0x2];
	[bflag:$0x3] =	sbarrier.arrive $0xFFFF;
	s2 =	simm.s32 @!p0 $0x1C02  }
0x40: {  	[timem:s3], [sflag:s2] =	dma.local @!p0 [hbm:s0], s1  }
0x41: {  	s0 =	simm.s32 @!p0 $0x2  }
0x42: {  	_ =	swait.ge @!p0 [sflag:s0], s1  }
0x43: {  	s1 =	ssub.s32 @!p0 $0x0, s1;
	[sflag:s0] =	ssyncset.done @!p0 $0x0  }
0x44: {  	[sflag:s0] =	ssyncadd.s32 @!p0 s1  }
0x45: {  	[bflag:$0x3] =	sbarrier.arrive $0xFFFF  }
0x46: {  	_ =	shalt  }

</sc_bundles>
